<compile_context>
chip_gen: v7x
topology: tpu7x:2x2x1
jax: 0.10.2.dev20260603
libtpu: 0.0.44.dev20260713+nightly
codegen_flags: <defaults>
</compile_context>

<pallas_src>
import jax
import jax.numpy as jnp
from jax import lax
from jax.experimental import pallas as pl
from jax.experimental.pallas import tpu as pltpu
from jax.experimental.pallas import tpu_sc as plsc

_BATCH = 4096
_HIST = 50
_D = 64
_B = _BATCH * _HIST
_R = _B // 2
_NC = 2
_NS = 16
_NW = _NC * _NS
_RPW = _R // _NW
_GR = 640
_RG = _RPW // _GR
_NG = 2 * _RG


def _emb_body(idx_hbm, table_hbm, out_hbm, idx_v, rows_a, rows_b,
              isem, gsem_a, gsem_b, wsem_a, wsem_b):
  wid = lax.axis_index("s") * _NC + lax.axis_index("c")
  rows = (rows_a, rows_b)
  gsem = (gsem_a, gsem_b)
  wsem = (wsem_a, wsem_b)

  r0 = wid * _RPW
  pltpu.sync_copy(idx_hbm.at[pl.ds(r0, _RPW)], idx_v.at[pl.ds(0, _RPW)])
  pltpu.sync_copy(idx_hbm.at[pl.ds(_R + r0, _RPW)],
                  idx_v.at[pl.ds(_RPW, _RPW)])

  def start_gather(g):
    b = g % 2
    rg, par = g // 2, g % 2
    return pltpu.async_copy(
        table_hbm.at[idx_v.at[pl.ds(par * _RPW + rg * _GR, _GR)]],
        rows[b], gsem[b])

  def start_write(g):
    b = g % 2
    rg, par = g // 2, g % 2
    return pltpu.async_copy(
        rows[b],
        out_hbm.at[pl.ds(r0 + rg * _GR, _GR), pl.ds(par * _D, _D)],
        wsem[b])

  gathers = [None] * _NG
  writes = [None] * _NG
  gathers[0] = start_gather(0)
  for g in range(_NG):
    if g + 1 < _NG:
      if g >= 1:
        writes[g - 1].wait()
      gathers[g + 1] = start_gather(g + 1)
    gathers[g].wait()
    writes[g] = start_write(g)
  writes[_NG - 2].wait()
  writes[_NG - 1].wait()


_emb_call = pl.kernel(
    _emb_body,
    out_type=jax.ShapeDtypeStruct((_R, 2 * _D), jnp.float32),
    mesh=plsc.VectorSubcoreMesh(core_axis_name="c", subcore_axis_name="s"),
    scratch_types=[
        pltpu.VMEM((2 * _RPW,), jnp.int32),
        pltpu.VMEM((_GR, _D), jnp.float32),
        pltpu.VMEM((_GR, _D), jnp.float32),
        pltpu.SemaphoreType.DMA,
        pltpu.SemaphoreType.DMA,
        pltpu.SemaphoreType.DMA,
        pltpu.SemaphoreType.DMA,
        pltpu.SemaphoreType.DMA,
    ],
    compiler_params=pltpu.CompilerParams(use_tc_tiling_on_sc=False),
)


@jax.jit
def kernel(input, weights):
  idx_eo = input.astype(jnp.int32).reshape(_R, 2).T.reshape(_B)
  packed = _emb_call(idx_eo, weights)
  return packed.reshape(_BATCH, _HIST, _D)

# --- scband reference (transcript-rebuilt; emitter-appended) ---
"""Pipeline reference for scband-embedding-26800595927615 (READ-ONLY COPY).

The authoritative reference and input builder live on the scoring server;
editing this copy changes nothing except your own understanding.
"""

import jax, jax.numpy as jnp
import numpy as np

WORD_SIZE = 100000
VECTOR_SIZE = 64
BATCH = 4096
HIST_LEN = 50


def setup_inputs(seed: int = 0) -> dict:
    key = jax.random.key(seed)
    k1, k2 = jax.random.split(key)
    idx = jax.random.randint(k1, (BATCH, HIST_LEN), 0, WORD_SIZE, dtype=jnp.int64 if jax.config.jax_enable_x64 else jnp.int32)
    weights = jax.random.normal(k2, (WORD_SIZE, VECTOR_SIZE), dtype=jnp.float32)
    return {"input": idx, "weights": weights}


def reference(input, weights):
    # Faithful translation of: output = self.weights[input]
    output = jnp.take(weights, input, axis=0)
    return output

if __name__ == "__main__":
    import jax
    _d = setup_inputs()
    print(jax.jit(kernel)(*tuple(_d.values())))

</pallas_src>

<mosaic_0001>
#map = affine_map<(d0, d1) -> (0)>
#map1 = affine_map<(d0, d1) -> (0, 0)>
module attributes {stable_mosaic.version = 14 : i64} {
  func.func @_emb_body(%arg0: i32, %arg1: i32, %arg2: memref<204800xi32, #tpu.memory_space<hbm>>, %arg3: memref<100000x64xf32, #tpu.memory_space<hbm>>, %arg4: memref<102400x128xf32, #tpu.memory_space<hbm>>, %arg5: memref<6400xi32, #tpu.memory_space<vmem>>, %arg6: memref<640x64xf32, #tpu.memory_space<vmem>>, %arg7: memref<640x64xf32, #tpu.memory_space<vmem>>, %arg8: memref<!tpu.dma_semaphore, #tpu.memory_space<semaphore_mem>>, %arg9: memref<!tpu.dma_semaphore, #tpu.memory_space<semaphore_mem>>, %arg10: memref<!tpu.dma_semaphore, #tpu.memory_space<semaphore_mem>>, %arg11: memref<!tpu.dma_semaphore, #tpu.memory_space<semaphore_mem>>, %arg12: memref<!tpu.dma_semaphore, #tpu.memory_space<semaphore_mem>>) attributes {dimension_semantics = [#tpu.dimension_semantics<core_parallel>, #tpu.dimension_semantics<subcore_parallel>], iteration_bounds = array<i64: 2, 16>, scalar_prefetch = 0 : i64, scratch_operands = 8 : i64, tpu.core_type = #tpu.core_type<sc_vector_subcore>, window_params = [{transform_indices = #map}, {transform_indices = #map1}, {transform_indices = #map1}]} {
    %mul3A = arith.constant 2 : i32
    %mul3A_0 = arith.muli %arg1, %mul3A : i32
    %add3A = arith.addi %mul3A_0, %arg0 : i32
    %mul3A_1 = arith.constant 3200 : i32
    %mul3A_2 = arith.muli %add3A, %mul3A_1 : i32
    "tpu.region"() ({
      %run_scoped3A = tpu.sem_alloc : memref<!tpu.dma_semaphore, #tpu.memory_space<semaphore_mem>>
      %dma_start3A_203 = arith.constant 0 : i32
      %dma_start3A_204 = tpu.memref_slice %arg5[%dma_start3A_203] : memref<6400xi32, #tpu.memory_space<vmem>> -> memref<3200xi32, #tpu.memory_space<vmem>>
      %dma_start3A_205 = tpu.memref_slice %arg2[%mul3A_2] : memref<204800xi32, #tpu.memory_space<hbm>> -> memref<3200xi32, #tpu.memory_space<hbm>>
      %dma_start3A_206 = arith.constant 0 : i32
      %dma_start3A_207 = tpu.memref_slice %arg5[%dma_start3A_206] : memref<6400xi32, #tpu.memory_space<vmem>> -> memref<3200xi32, #tpu.memory_space<vmem>>
      %dma_start3A_208 = tpu.memref_slice %arg2[%mul3A_2] : memref<204800xi32, #tpu.memory_space<hbm>> -> memref<3200xi32, #tpu.memory_space<hbm>>
      tpu.enqueue_dma source(%dma_start3A_208 : memref<3200xi32, #tpu.memory_space<hbm>>) target(%dma_start3A_207 : memref<3200xi32, #tpu.memory_space<vmem>>) target_semaphore(%run_scoped3A : memref<!tpu.dma_semaphore, #tpu.memory_space<semaphore_mem>>)
      %dma_wait3A_209 = arith.constant 0 : i32
      %dma_wait3A_210 = tpu.memref_slice %arg5[%dma_wait3A_209] : memref<6400xi32, #tpu.memory_space<vmem>> -> memref<3200xi32, #tpu.memory_space<vmem>>
      %dma_wait3A_211 = tpu.memref_slice %arg2[%mul3A_2] : memref<204800xi32, #tpu.memory_space<hbm>> -> memref<3200xi32, #tpu.memory_space<hbm>>
      %dma_wait3A_212 = arith.constant 0 : i32
      %dma_wait3A_213 = tpu.memref_slice %arg5[%dma_wait3A_212] : memref<6400xi32, #tpu.memory_space<vmem>> -> memref<3200xi32, #tpu.memory_space<vmem>>
      %dma_wait3A_214 = tpu.memref_slice %arg2[%mul3A_2] : memref<204800xi32, #tpu.memory_space<hbm>> -> memref<3200xi32, #tpu.memory_space<hbm>>
      tpu.wait_dma2 semaphore(%run_scoped3A : memref<!tpu.dma_semaphore, #tpu.memory_space<semaphore_mem>>) src(%dma_wait3A_214 : memref<3200xi32, #tpu.memory_space<hbm>>) dst(%dma_wait3A_213 : memref<3200xi32, #tpu.memory_space<vmem>>)
      tpu.yield
    }) : () -> ()
    %add3A_3 = arith.constant 102400 : i32
    %add3A_4 = arith.addi %add3A_3, %mul3A_2 : i32
    "tpu.region"() ({
      %run_scoped3A = tpu.sem_alloc : memref<!tpu.dma_semaphore, #tpu.memory_space<semaphore_mem>>
      %dma_start3A_203 = arith.constant 3200 : i32
      %dma_start3A_204 = tpu.memref_slice %arg5[%dma_start3A_203] : memref<6400xi32, #tpu.memory_space<vmem>> -> memref<3200xi32, #tpu.memory_space<vmem>>
      %dma_start3A_205 = tpu.memref_slice %arg2[%add3A_4] : memref<204800xi32, #tpu.memory_space<hbm>> -> memref<3200xi32, #tpu.memory_space<hbm>>
      %dma_start3A_206 = arith.constant 3200 : i32
      %dma_start3A_207 = tpu.memref_slice %arg5[%dma_start3A_206] : memref<6400xi32, #tpu.memory_space<vmem>> -> memref<3200xi32, #tpu.memory_space<vmem>>
      %dma_start3A_208 = tpu.memref_slice %arg2[%add3A_4] : memref<204800xi32, #tpu.memory_space<hbm>> -> memref<3200xi32, #tpu.memory_space<hbm>>
      tpu.enqueue_dma source(%dma_start3A_208 : memref<3200xi32, #tpu.memory_space<hbm>>) target(%dma_start3A_207 : memref<3200xi32, #tpu.memory_space<vmem>>) target_semaphore(%run_scoped3A : memref<!tpu.dma_semaphore, #tpu.memory_space<semaphore_mem>>)
      %dma_wait3A_209 = arith.constant 3200 : i32
      %dma_wait3A_210 = tpu.memref_slice %arg5[%dma_wait3A_209] : memref<6400xi32, #tpu.memory_space<vmem>> -> memref<3200xi32, #tpu.memory_space<vmem>>
      %dma_wait3A_211 = tpu.memref_slice %arg2[%add3A_4] : memref<204800xi32, #tpu.memory_space<hbm>> -> memref<3200xi32, #tpu.memory_space<hbm>>
      %dma_wait3A_212 = arith.constant 3200 : i32
      %dma_wait3A_213 = tpu.memref_slice %arg5[%dma_wait3A_212] : memref<6400xi32, #tpu.memory_space<vmem>> -> memref<3200xi32, #tpu.memory_space<vmem>>
      %dma_wait3A_214 = tpu.memref_slice %arg2[%add3A_4] : memref<204800xi32, #tpu.memory_space<hbm>> -> memref<3200xi32, #tpu.memory_space<hbm>>
      tpu.wait_dma2 semaphore(%run_scoped3A : memref<!tpu.dma_semaphore, #tpu.memory_space<semaphore_mem>>) src(%dma_wait3A_214 : memref<3200xi32, #tpu.memory_space<hbm>>) dst(%dma_wait3A_213 : memref<3200xi32, #tpu.memory_space<vmem>>)
      tpu.yield
    }) : () -> ()
    %dma_start3A = arith.constant 0 : i32
    %dma_start3A_5 = tpu.memref_slice %arg5[%dma_start3A] : memref<6400xi32, #tpu.memory_space<vmem>> -> memref<640xi32, #tpu.memory_space<vmem>>
    %dma_start3A_6 = arith.constant 0 : i32
    %dma_start3A_7 = arith.constant 0 : i32
    %dma_start3A_8 = tpu.memref_slice %arg3[%dma_start3A_6, %dma_start3A_7] : memref<100000x64xf32, #tpu.memory_space<hbm>> -> memref<100000x64xf32, #tpu.memory_space<hbm>>
    tpu.enqueue_indirect_dma source(%dma_start3A_8 : memref<100000x64xf32, #tpu.memory_space<hbm>>) target(%arg6 : memref<640x64xf32, #tpu.memory_space<vmem>>) offsets(%dma_start3A_5 : memref<640xi32, #tpu.memory_space<vmem>>) semaphore(%arg9 : memref<!tpu.dma_semaphore, #tpu.memory_space<semaphore_mem>>)
    %dma_start3A_9 = arith.constant 3200 : i32
    %dma_start3A_10 = tpu.memref_slice %arg5[%dma_start3A_9] : memref<6400xi32, #tpu.memory_space<vmem>> -> memref<640xi32, #tpu.memory_space<vmem>>
    %dma_start3A_11 = arith.constant 0 : i32
    %dma_start3A_12 = arith.constant 0 : i32
    %dma_start3A_13 = tpu.memref_slice %arg3[%dma_start3A_11, %dma_start3A_12] : memref<100000x64xf32, #tpu.memory_space<hbm>> -> memref<100000x64xf32, #tpu.memory_space<hbm>>
    tpu.enqueue_indirect_dma source(%dma_start3A_13 : memref<100000x64xf32, #tpu.memory_space<hbm>>) target(%arg7 : memref<640x64xf32, #tpu.memory_space<vmem>>) offsets(%dma_start3A_10 : memref<640xi32, #tpu.memory_space<vmem>>) semaphore(%arg10 : memref<!tpu.dma_semaphore, #tpu.memory_space<semaphore_mem>>)
    %dma_wait3A = arith.constant 0 : i32
    %dma_wait3A_14 = tpu.memref_slice %arg5[%dma_wait3A] : memref<6400xi32, #tpu.memory_space<vmem>> -> memref<640xi32, #tpu.memory_space<vmem>>
    %dma_wait3A_15 = arith.constant 0 : i32
    %dma_wait3A_16 = arith.constant 0 : i32
    %dma_wait3A_17 = tpu.memref_slice %arg3[%dma_wait3A_15, %dma_wait3A_16] : memref<100000x64xf32, #tpu.memory_space<hbm>> -> memref<100000x64xf32, #tpu.memory_space<hbm>>
    tpu.wait_indirect_dma semaphore(%arg9 : memref<!tpu.dma_semaphore, #tpu.memory_space<semaphore_mem>>) src(%dma_wait3A_17 : memref<100000x64xf32, #tpu.memory_space<hbm>>) dst(%arg6 : memref<640x64xf32, #tpu.memory_space<vmem>>)
    %add3A_18 = arith.constant 0 : i32
    %add3A_19 = arith.addi %mul3A_2, %add3A_18 : i32
    %dma_start3A_20 = arith.constant 0 : i32
    %dma_start3A_21 = tpu.memref_slice %arg4[%add3A_19, %dma_start3A_20] : memref<102400x128xf32, #tpu.memory_space<hbm>> -> memref<640x64xf32, #tpu.memory_space<hbm>>
    %dma_start3A_22 = arith.constant 0 : i32
    %dma_start3A_23 = tpu.memref_slice %arg4[%add3A_19, %dma_start3A_22] : memref<102400x128xf32, #tpu.memory_space<hbm>> -> memref<640x64xf32, #tpu.memory_space<hbm>>
    tpu.enqueue_dma source(%arg6 : memref<640x64xf32, #tpu.memory_space<vmem>>) target(%dma_start3A_23 : memref<640x64xf32, #tpu.memory_space<hbm>>) target_semaphore(%arg11 : memref<!tpu.dma_semaphore, #tpu.memory_space<semaphore_mem>>)
    %dma_wait3A_24 = arith.constant 0 : i32
    %dma_wait3A_25 = tpu.memref_slice %arg4[%add3A_19, %dma_wait3A_24] : memref<102400x128xf32, #tpu.memory_space<hbm>> -> memref<640x64xf32, #tpu.memory_space<hbm>>
    %dma_wait3A_26 = arith.constant 0 : i32
    %dma_wait3A_27 = tpu.memref_slice %arg4[%add3A_19, %dma_wait3A_26] : memref<102400x128xf32, #tpu.memory_space<hbm>> -> memref<640x64xf32, #tpu.memory_space<hbm>>
    tpu.wait_dma2 semaphore(%arg11 : memref<!tpu.dma_semaphore, #tpu.memory_space<semaphore_mem>>) src(%arg6 : memref<640x64xf32, #tpu.memory_space<vmem>>) dst(%dma_wait3A_27 : memref<640x64xf32, #tpu.memory_space<hbm>>)
    %dma_start3A_28 = arith.constant 640 : i32
    %dma_start3A_29 = tpu.memref_slice %arg5[%dma_start3A_28] : memref<6400xi32, #tpu.memory_space<vmem>> -> memref<640xi32, #tpu.memory_space<vmem>>
    %dma_start3A_30 = arith.constant 0 : i32
    %dma_start3A_31 = arith.constant 0 : i32
    %dma_start3A_32 = tpu.memref_slice %arg3[%dma_start3A_30, %dma_start3A_31] : memref<100000x64xf32, #tpu.memory_space<hbm>> -> memref<100000x64xf32, #tpu.memory_space<hbm>>
    tpu.enqueue_indirect_dma source(%dma_start3A_32 : memref<100000x64xf32, #tpu.memory_space<hbm>>) target(%arg6 : memref<640x64xf32, #tpu.memory_space<vmem>>) offsets(%dma_start3A_29 : memref<640xi32, #tpu.memory_space<vmem>>) semaphore(%arg9 : memref<!tpu.dma_semaphore, #tpu.memory_space<semaphore_mem>>)
    %dma_wait3A_33 = arith.constant 3200 : i32
    %dma_wait3A_34 = tpu.memref_slice %arg5[%dma_wait3A_33] : memref<6400xi32, #tpu.memory_space<vmem>> -> memref<640xi32, #tpu.memory_space<vmem>>
    %dma_wait3A_35 = arith.constant 0 : i32
    %dma_wait3A_36 = arith.constant 0 : i32
    %dma_wait3A_37 = tpu.memref_slice %arg3[%dma_wait3A_35, %dma_wait3A_36] : memref<100000x64xf32, #tpu.memory_space<hbm>> -> memref<100000x64xf32, #tpu.memory_space<hbm>>
    tpu.wait_indirect_dma semaphore(%arg10 : memref<!tpu.dma_semaphore, #tpu.memory_space<semaphore_mem>>) src(%dma_wait3A_37 : memref<100000x64xf32, #tpu.memory_space<hbm>>) dst(%arg7 : memref<640x64xf32, #tpu.memory_space<vmem>>)
    %add3A_38 = arith.constant 0 : i32
    %add3A_39 = arith.addi %mul3A_2, %add3A_38 : i32
    %dma_start3A_40 = arith.constant 64 : i32
    %dma_start3A_41 = tpu.memref_slice %arg4[%add3A_39, %dma_start3A_40] : memref<102400x128xf32, #tpu.memory_space<hbm>> -> memref<640x64xf32, #tpu.memory_space<hbm>>
    %dma_start3A_42 = arith.constant 64 : i32
    %dma_start3A_43 = tpu.memref_slice %arg4[%add3A_39, %dma_start3A_42] : memref<102400x128xf32, #tpu.memory_space<hbm>> -> memref<640x64xf32, #tpu.memory_space<hbm>>
    tpu.enqueue_dma source(%arg7 : memref<640x64xf32, #tpu.memory_space<vmem>>) target(%dma_start3A_43 : memref<640x64xf32, #tpu.memory_space<hbm>>) target_semaphore(%arg12 : memref<!tpu.dma_semaphore, #tpu.memory_space<semaphore_mem>>)
    %dma_wait3A_44 = arith.constant 64 : i32
    %dma_wait3A_45 = tpu.memref_slice %arg4[%add3A_39, %dma_wait3A_44] : memref<102400x128xf32, #tpu.memory_space<hbm>> -> memref<640x64xf32, #tpu.memory_space<hbm>>
    %dma_wait3A_46 = arith.constant 64 : i32
    %dma_wait3A_47 = tpu.memref_slice %arg4[%add3A_39, %dma_wait3A_46] : memref<102400x128xf32, #tpu.memory_space<hbm>> -> memref<640x64xf32, #tpu.memory_space<hbm>>
    tpu.wait_dma2 semaphore(%arg12 : memref<!tpu.dma_semaphore, #tpu.memory_space<semaphore_mem>>) src(%arg7 : memref<640x64xf32, #tpu.memory_space<vmem>>) dst(%dma_wait3A_47 : memref<640x64xf32, #tpu.memory_space<hbm>>)
    %dma_start3A_48 = arith.constant 3840 : i32
    %dma_start3A_49 = tpu.memref_slice %arg5[%dma_start3A_48] : memref<6400xi32, #tpu.memory_space<vmem>> -> memref<640xi32, #tpu.memory_space<vmem>>
    %dma_start3A_50 = arith.constant 0 : i32
    %dma_start3A_51 = arith.constant 0 : i32
    %dma_start3A_52 = tpu.memref_slice %arg3[%dma_start3A_50, %dma_start3A_51] : memref<100000x64xf32, #tpu.memory_space<hbm>> -> memref<100000x64xf32, #tpu.memory_space<hbm>>
    tpu.enqueue_indirect_dma source(%dma_start3A_52 : memref<100000x64xf32, #tpu.memory_space<hbm>>) target(%arg7 : memref<640x64xf32, #tpu.memory_space<vmem>>) offsets(%dma_start3A_49 : memref<640xi32, #tpu.memory_space<vmem>>) semaphore(%arg10 : memref<!tpu.dma_semaphore, #tpu.memory_space<semaphore_mem>>)
    %dma_wait3A_53 = arith.constant 640 : i32
    %dma_wait3A_54 = tpu.memref_slice %arg5[%dma_wait3A_53] : memref<6400xi32, #tpu.memory_space<vmem>> -> memref<640xi32, #tpu.memory_space<vmem>>
    %dma_wait3A_55 = arith.constant 0 : i32
    %dma_wait3A_56 = arith.constant 0 : i32
    %dma_wait3A_57 = tpu.memref_slice %arg3[%dma_wait3A_55, %dma_wait3A_56] : memref<100000x64xf32, #tpu.memory_space<hbm>> -> memref<100000x64xf32, #tpu.memory_space<hbm>>
    tpu.wait_indirect_dma semaphore(%arg9 : memref<!tpu.dma_semaphore, #tpu.memory_space<semaphore_mem>>) src(%dma_wait3A_57 : memref<100000x64xf32, #tpu.memory_space<hbm>>) dst(%arg6 : memref<640x64xf32, #tpu.memory_space<vmem>>)
    %add3A_58 = arith.constant 640 : i32
    %add3A_59 = arith.addi %mul3A_2, %add3A_58 : i32
    %dma_start3A_60 = arith.constant 0 : i32
    %dma_start3A_61 = tpu.memref_slice %arg4[%add3A_59, %dma_start3A_60] : memref<102400x128xf32, #tpu.memory_space<hbm>> -> memref<640x64xf32, #tpu.memory_space<hbm>>
    %dma_start3A_62 = arith.constant 0 : i32
    %dma_start3A_63 = tpu.memref_slice %arg4[%add3A_59, %dma_start3A_62] : memref<102400x128xf32, #tpu.memory_space<hbm>> -> memref<640x64xf32, #tpu.memory_space<hbm>>
    tpu.enqueue_dma source(%arg6 : memref<640x64xf32, #tpu.memory_space<vmem>>) target(%dma_start3A_63 : memref<640x64xf32, #tpu.memory_space<hbm>>) target_semaphore(%arg11 : memref<!tpu.dma_semaphore, #tpu.memory_space<semaphore_mem>>)
    %dma_wait3A_64 = arith.constant 0 : i32
    %dma_wait3A_65 = tpu.memref_slice %arg4[%add3A_59, %dma_wait3A_64] : memref<102400x128xf32, #tpu.memory_space<hbm>> -> memref<640x64xf32, #tpu.memory_space<hbm>>
    %dma_wait3A_66 = arith.constant 0 : i32
    %dma_wait3A_67 = tpu.memref_slice %arg4[%add3A_59, %dma_wait3A_66] : memref<102400x128xf32, #tpu.memory_space<hbm>> -> memref<640x64xf32, #tpu.memory_space<hbm>>
    tpu.wait_dma2 semaphore(%arg11 : memref<!tpu.dma_semaphore, #tpu.memory_space<semaphore_mem>>) src(%arg6 : memref<640x64xf32, #tpu.memory_space<vmem>>) dst(%dma_wait3A_67 : memref<640x64xf32, #tpu.memory_space<hbm>>)
    %dma_start3A_68 = arith.constant 1280 : i32
    %dma_start3A_69 = tpu.memref_slice %arg5[%dma_start3A_68] : memref<6400xi32, #tpu.memory_space<vmem>> -> memref<640xi32, #tpu.memory_space<vmem>>
    %dma_start3A_70 = arith.constant 0 : i32
    %dma_start3A_71 = arith.constant 0 : i32
    %dma_start3A_72 = tpu.memref_slice %arg3[%dma_start3A_70, %dma_start3A_71] : memref<100000x64xf32, #tpu.memory_space<hbm>> -> memref<100000x64xf32, #tpu.memory_space<hbm>>
    tpu.enqueue_indirect_dma source(%dma_start3A_72 : memref<100000x64xf32, #tpu.memory_space<hbm>>) target(%arg6 : memref<640x64xf32, #tpu.memory_space<vmem>>) offsets(%dma_start3A_69 : memref<640xi32, #tpu.memory_space<vmem>>) semaphore(%arg9 : memref<!tpu.dma_semaphore, #tpu.memory_space<semaphore_mem>>)
    %dma_wait3A_73 = arith.constant 3840 : i32
    %dma_wait3A_74 = tpu.memref_slice %arg5[%dma_wait3A_73] : memref<6400xi32, #tpu.memory_space<vmem>> -> memref<640xi32, #tpu.memory_space<vmem>>
    %dma_wait3A_75 = arith.constant 0 : i32
    %dma_wait3A_76 = arith.constant 0 : i32
    %dma_wait3A_77 = tpu.memref_slice %arg3[%dma_wait3A_75, %dma_wait3A_76] : memref<100000x64xf32, #tpu.memory_space<hbm>> -> memref<100000x64xf32, #tpu.memory_space<hbm>>
    tpu.wait_indirect_dma semaphore(%arg10 : memref<!tpu.dma_semaphore, #tpu.memory_space<semaphore_mem>>) src(%dma_wait3A_77 : memref<100000x64xf32, #tpu.memory_space<hbm>>) dst(%arg7 : memref<640x64xf32, #tpu.memory_space<vmem>>)
    %add3A_78 = arith.constant 640 : i32
    %add3A_79 = arith.addi %mul3A_2, %add3A_78 : i32
    %dma_start3A_80 = arith.constant 64 : i32
    %dma_start3A_81 = tpu.memref_slice %arg4[%add3A_79, %dma_start3A_80] : memref<102400x128xf32, #tpu.memory_space<hbm>> -> memref<640x64xf32, #tpu.memory_space<hbm>>
    %dma_start3A_82 = arith.constant 64 : i32
    %dma_start3A_83 = tpu.memref_slice %arg4[%add3A_79, %dma_start3A_82] : memref<102400x128xf32, #tpu.memory_space<hbm>> -> memref<640x64xf32, #tpu.memory_space<hbm>>
    tpu.enqueue_dma source(%arg7 : memref<640x64xf32, #tpu.memory_space<vmem>>) target(%dma_start3A_83 : memref<640x64xf32, #tpu.memory_space<hbm>>) target_semaphore(%arg12 : memref<!tpu.dma_semaphore, #tpu.memory_space<semaphore_mem>>)
    %dma_wait3A_84 = arith.constant 64 : i32
    %dma_wait3A_85 = tpu.memref_slice %arg4[%add3A_79, %dma_wait3A_84] : memref<102400x128xf32, #tpu.memory_space<hbm>> -> memref<640x64xf32, #tpu.memory_space<hbm>>
    %dma_wait3A_86 = arith.constant 64 : i32
    %dma_wait3A_87 = tpu.memref_slice %arg4[%add3A_79, %dma_wait3A_86] : memref<102400x128xf32, #tpu.memory_space<hbm>> -> memref<640x64xf32, #tpu.memory_space<hbm>>
    tpu.wait_dma2 semaphore(%arg12 : memref<!tpu.dma_semaphore, #tpu.memory_space<semaphore_mem>>) src(%arg7 : memref<640x64xf32, #tpu.memory_space<vmem>>) dst(%dma_wait3A_87 : memref<640x64xf32, #tpu.memory_space<hbm>>)
    %dma_start3A_88 = arith.constant 4480 : i32
    %dma_start3A_89 = tpu.memref_slice %arg5[%dma_start3A_88] : memref<6400xi32, #tpu.memory_space<vmem>> -> memref<640xi32, #tpu.memory_space<vmem>>
    %dma_start3A_90 = arith.constant 0 : i32
    %dma_start3A_91 = arith.constant 0 : i32
    %dma_start3A_92 = tpu.memref_slice %arg3[%dma_start3A_90, %dma_start3A_91] : memref<100000x64xf32, #tpu.memory_space<hbm>> -> memref<100000x64xf32, #tpu.memory_space<hbm>>
    tpu.enqueue_indirect_dma source(%dma_start3A_92 : memref<100000x64xf32, #tpu.memory_space<hbm>>) target(%arg7 : memref<640x64xf32, #tpu.memory_space<vmem>>) offsets(%dma_start3A_89 : memref<640xi32, #tpu.memory_space<vmem>>) semaphore(%arg10 : memref<!tpu.dma_semaphore, #tpu.memory_space<semaphore_mem>>)
    %dma_wait3A_93 = arith.constant 1280 : i32
    %dma_wait3A_94 = tpu.memref_slice %arg5[%dma_wait3A_93] : memref<6400xi32, #tpu.memory_space<vmem>> -> memref<640xi32, #tpu.memory_space<vmem>>
    %dma_wait3A_95 = arith.constant 0 : i32
    %dma_wait3A_96 = arith.constant 0 : i32
    %dma_wait3A_97 = tpu.memref_slice %arg3[%dma_wait3A_95, %dma_wait3A_96] : memref<100000x64xf32, #tpu.memory_space<hbm>> -> memref<100000x64xf32, #tpu.memory_space<hbm>>
    tpu.wait_indirect_dma semaphore(%arg9 : memref<!tpu.dma_semaphore, #tpu.memory_space<semaphore_mem>>) src(%dma_wait3A_97 : memref<100000x64xf32, #tpu.memory_space<hbm>>) dst(%arg6 : memref<640x64xf32, #tpu.memory_space<vmem>>)
    %add3A_98 = arith.constant 1280 : i32
    %add3A_99 = arith.addi %mul3A_2, %add3A_98 : i32
    %dma_start3A_100 = arith.constant 0 : i32
    %dma_start3A_101 = tpu.memref_slice %arg4[%add3A_99, %dma_start3A_100] : memref<102400x128xf32, #tpu.memory_space<hbm>> -> memref<640x64xf32, #tpu.memory_space<hbm>>
    %dma_start3A_102 = arith.constant 0 : i32
    %dma_start3A_103 = tpu.memref_slice %arg4[%add3A_99, %dma_start3A_102] : memref<102400x128xf32, #tpu.memory_space<hbm>> -> memref<640x64xf32, #tpu.memory_space<hbm>>
    tpu.enqueue_dma source(%arg6 : memref<640x64xf32, #tpu.memory_space<vmem>>) target(%dma_start3A_103 : memref<640x64xf32, #tpu.memory_space<hbm>>) target_semaphore(%arg11 : memref<!tpu.dma_semaphore, #tpu.memory_space<semaphore_mem>>)
    %dma_wait3A_104 = arith.constant 0 : i32
    %dma_wait3A_105 = tpu.memref_slice %arg4[%add3A_99, %dma_wait3A_104] : memref<102400x128xf32, #tpu.memory_space<hbm>> -> memref<640x64xf32, #tpu.memory_space<hbm>>
    %dma_wait3A_106 = arith.constant 0 : i32
    %dma_wait3A_107 = tpu.memref_slice %arg4[%add3A_99, %dma_wait3A_106] : memref<102400x128xf32, #tpu.memory_space<hbm>> -> memref<640x64xf32, #tpu.memory_space<hbm>>
    tpu.wait_dma2 semaphore(%arg11 : memref<!tpu.dma_semaphore, #tpu.memory_space<semaphore_mem>>) src(%arg6 : memref<640x64xf32, #tpu.memory_space<vmem>>) dst(%dma_wait3A_107 : memref<640x64xf32, #tpu.memory_space<hbm>>)
    %dma_start3A_108 = arith.constant 1920 : i32
    %dma_start3A_109 = tpu.memref_slice %arg5[%dma_start3A_108] : memref<6400xi32, #tpu.memory_space<vmem>> -> memref<640xi32, #tpu.memory_space<vmem>>
    %dma_start3A_110 = arith.constant 0 : i32
    %dma_start3A_111 = arith.constant 0 : i32
    %dma_start3A_112 = tpu.memref_slice %arg3[%dma_start3A_110, %dma_start3A_111] : memref<100000x64xf32, #tpu.memory_space<hbm>> -> memref<100000x64xf32, #tpu.memory_space<hbm>>
    tpu.enqueue_indirect_dma source(%dma_start3A_112 : memref<100000x64xf32, #tpu.memory_space<hbm>>) target(%arg6 : memref<640x64xf32, #tpu.memory_space<vmem>>) offsets(%dma_start3A_109 : memref<640xi32, #tpu.memory_space<vmem>>) semaphore(%arg9 : memref<!tpu.dma_semaphore, #tpu.memory_space<semaphore_mem>>)
    %dma_wait3A_113 = arith.constant 4480 : i32
    %dma_wait3A_114 = tpu.memref_slice %arg5[%dma_wait3A_113] : memref<6400xi32, #tpu.memory_space<vmem>> -> memref<640xi32, #tpu.memory_space<vmem>>
    %dma_wait3A_115 = arith.constant 0 : i32
    %dma_wait3A_116 = arith.constant 0 : i32
    %dma_wait3A_117 = tpu.memref_slice %arg3[%dma_wait3A_115, %dma_wait3A_116] : memref<100000x64xf32, #tpu.memory_space<hbm>> -> memref<100000x64xf32, #tpu.memory_space<hbm>>
    tpu.wait_indirect_dma semaphore(%arg10 : memref<!tpu.dma_semaphore, #tpu.memory_space<semaphore_mem>>) src(%dma_wait3A_117 : memref<100000x64xf32, #tpu.memory_space<hbm>>) dst(%arg7 : memref<640x64xf32, #tpu.memory_space<vmem>>)
    %add3A_118 = arith.constant 1280 : i32
    %add3A_119 = arith.addi %mul3A_2, %add3A_118 : i32
    %dma_start3A_120 = arith.constant 64 : i32
    %dma_start3A_121 = tpu.memref_slice %arg4[%add3A_119, %dma_start3A_120] : memref<102400x128xf32, #tpu.memory_space<hbm>> -> memref<640x64xf32, #tpu.memory_space<hbm>>
    %dma_start3A_122 = arith.constant 64 : i32
    %dma_start3A_123 = tpu.memref_slice %arg4[%add3A_119, %dma_start3A_122] : memref<102400x128xf32, #tpu.memory_space<hbm>> -> memref<640x64xf32, #tpu.memory_space<hbm>>
    tpu.enqueue_dma source(%arg7 : memref<640x64xf32, #tpu.memory_space<vmem>>) target(%dma_start3A_123 : memref<640x64xf32, #tpu.memory_space<hbm>>) target_semaphore(%arg12 : memref<!tpu.dma_semaphore, #tpu.memory_space<semaphore_mem>>)
    %dma_wait3A_124 = arith.constant 64 : i32
    %dma_wait3A_125 = tpu.memref_slice %arg4[%add3A_119, %dma_wait3A_124] : memref<102400x128xf32, #tpu.memory_space<hbm>> -> memref<640x64xf32, #tpu.memory_space<hbm>>
    %dma_wait3A_126 = arith.constant 64 : i32
    %dma_wait3A_127 = tpu.memref_slice %arg4[%add3A_119, %dma_wait3A_126] : memref<102400x128xf32, #tpu.memory_space<hbm>> -> memref<640x64xf32, #tpu.memory_space<hbm>>
    tpu.wait_dma2 semaphore(%arg12 : memref<!tpu.dma_semaphore, #tpu.memory_space<semaphore_mem>>) src(%arg7 : memref<640x64xf32, #tpu.memory_space<vmem>>) dst(%dma_wait3A_127 : memref<640x64xf32, #tpu.memory_space<hbm>>)
    %dma_start3A_128 = arith.constant 5120 : i32
    %dma_start3A_129 = tpu.memref_slice %arg5[%dma_start3A_128] : memref<6400xi32, #tpu.memory_space<vmem>> -> memref<640xi32, #tpu.memory_space<vmem>>
    %dma_start3A_130 = arith.constant 0 : i32
    %dma_start3A_131 = arith.constant 0 : i32
    %dma_start3A_132 = tpu.memref_slice %arg3[%dma_start3A_130, %dma_start3A_131] : memref<100000x64xf32, #tpu.memory_space<hbm>> -> memref<100000x64xf32, #tpu.memory_space<hbm>>
    tpu.enqueue_indirect_dma source(%dma_start3A_132 : memref<100000x64xf32, #tpu.memory_space<hbm>>) target(%arg7 : memref<640x64xf32, #tpu.memory_space<vmem>>) offsets(%dma_start3A_129 : memref<640xi32, #tpu.memory_space<vmem>>) semaphore(%arg10 : memref<!tpu.dma_semaphore, #tpu.memory_space<semaphore_mem>>)
    %dma_wait3A_133 = arith.constant 1920 : i32
    %dma_wait3A_134 = tpu.memref_slice %arg5[%dma_wait3A_133] : memref<6400xi32, #tpu.memory_space<vmem>> -> memref<640xi32, #tpu.memory_space<vmem>>
    %dma_wait3A_135 = arith.constant 0 : i32
    %dma_wait3A_136 = arith.constant 0 : i32
    %dma_wait3A_137 = tpu.memref_slice %arg3[%dma_wait3A_135, %dma_wait3A_136] : memref<100000x64xf32, #tpu.memory_space<hbm>> -> memref<100000x64xf32, #tpu.memory_space<hbm>>
    tpu.wait_indirect_dma semaphore(%arg9 : memref<!tpu.dma_semaphore, #tpu.memory_space<semaphore_mem>>) src(%dma_wait3A_137 : memref<100000x64xf32, #tpu.memory_space<hbm>>) dst(%arg6 : memref<640x64xf32, #tpu.memory_space<vmem>>)
    %add3A_138 = arith.constant 1920 : i32
    %add3A_139 = arith.addi %mul3A_2, %add3A_138 : i32
    %dma_start3A_140 = arith.constant 0 : i32
    %dma_start3A_141 = tpu.memref_slice %arg4[%add3A_139, %dma_start3A_140] : memref<102400x128xf32, #tpu.memory_space<hbm>> -> memref<640x64xf32, #tpu.memory_space<hbm>>
    %dma_start3A_142 = arith.constant 0 : i32
    %dma_start3A_143 = tpu.memref_slice %arg4[%add3A_139, %dma_start3A_142] : memref<102400x128xf32, #tpu.memory_space<hbm>> -> memref<640x64xf32, #tpu.memory_space<hbm>>
    tpu.enqueue_dma source(%arg6 : memref<640x64xf32, #tpu.memory_space<vmem>>) target(%dma_start3A_143 : memref<640x64xf32, #tpu.memory_space<hbm>>) target_semaphore(%arg11 : memref<!tpu.dma_semaphore, #tpu.memory_space<semaphore_mem>>)
    %dma_wait3A_144 = arith.constant 0 : i32
    %dma_wait3A_145 = tpu.memref_slice %arg4[%add3A_139, %dma_wait3A_144] : memref<102400x128xf32, #tpu.memory_space<hbm>> -> memref<640x64xf32, #tpu.memory_space<hbm>>
    %dma_wait3A_146 = arith.constant 0 : i32
    %dma_wait3A_147 = tpu.memref_slice %arg4[%add3A_139, %dma_wait3A_146] : memref<102400x128xf32, #tpu.memory_space<hbm>> -> memref<640x64xf32, #tpu.memory_space<hbm>>
    tpu.wait_dma2 semaphore(%arg11 : memref<!tpu.dma_semaphore, #tpu.memory_space<semaphore_mem>>) src(%arg6 : memref<640x64xf32, #tpu.memory_space<vmem>>) dst(%dma_wait3A_147 : memref<640x64xf32, #tpu.memory_space<hbm>>)
    %dma_start3A_148 = arith.constant 2560 : i32
    %dma_start3A_149 = tpu.memref_slice %arg5[%dma_start3A_148] : memref<6400xi32, #tpu.memory_space<vmem>> -> memref<640xi32, #tpu.memory_space<vmem>>
    %dma_start3A_150 = arith.constant 0 : i32
    %dma_start3A_151 = arith.constant 0 : i32
    %dma_start3A_152 = tpu.memref_slice %arg3[%dma_start3A_150, %dma_start3A_151] : memref<100000x64xf32, #tpu.memory_space<hbm>> -> memref<100000x64xf32, #tpu.memory_space<hbm>>
    tpu.enqueue_indirect_dma source(%dma_start3A_152 : memref<100000x64xf32, #tpu.memory_space<hbm>>) target(%arg6 : memref<640x64xf32, #tpu.memory_space<vmem>>) offsets(%dma_start3A_149 : memref<640xi32, #tpu.memory_space<vmem>>) semaphore(%arg9 : memref<!tpu.dma_semaphore, #tpu.memory_space<semaphore_mem>>)
    %dma_wait3A_153 = arith.constant 5120 : i32
    %dma_wait3A_154 = tpu.memref_slice %arg5[%dma_wait3A_153] : memref<6400xi32, #tpu.memory_space<vmem>> -> memref<640xi32, #tpu.memory_space<vmem>>
    %dma_wait3A_155 = arith.constant 0 : i32
    %dma_wait3A_156 = arith.constant 0 : i32
    %dma_wait3A_157 = tpu.memref_slice %arg3[%dma_wait3A_155, %dma_wait3A_156] : memref<100000x64xf32, #tpu.memory_space<hbm>> -> memref<100000x64xf32, #tpu.memory_space<hbm>>
    tpu.wait_indirect_dma semaphore(%arg10 : memref<!tpu.dma_semaphore, #tpu.memory_space<semaphore_mem>>) src(%dma_wait3A_157 : memref<100000x64xf32, #tpu.memory_space<hbm>>) dst(%arg7 : memref<640x64xf32, #tpu.memory_space<vmem>>)
    %add3A_158 = arith.constant 1920 : i32
    %add3A_159 = arith.addi %mul3A_2, %add3A_158 : i32
    %dma_start3A_160 = arith.constant 64 : i32
    %dma_start3A_161 = tpu.memref_slice %arg4[%add3A_159, %dma_start3A_160] : memref<102400x128xf32, #tpu.memory_space<hbm>> -> memref<640x64xf32, #tpu.memory_space<hbm>>
    %dma_start3A_162 = arith.constant 64 : i32
    %dma_start3A_163 = tpu.memref_slice %arg4[%add3A_159, %dma_start3A_162] : memref<102400x128xf32, #tpu.memory_space<hbm>> -> memref<640x64xf32, #tpu.memory_space<hbm>>
    tpu.enqueue_dma source(%arg7 : memref<640x64xf32, #tpu.memory_space<vmem>>) target(%dma_start3A_163 : memref<640x64xf32, #tpu.memory_space<hbm>>) target_semaphore(%arg12 : memref<!tpu.dma_semaphore, #tpu.memory_space<semaphore_mem>>)
    %dma_wait3A_164 = arith.constant 64 : i32
    %dma_wait3A_165 = tpu.memref_slice %arg4[%add3A_159, %dma_wait3A_164] : memref<102400x128xf32, #tpu.memory_space<hbm>> -> memref<640x64xf32, #tpu.memory_space<hbm>>
    %dma_wait3A_166 = arith.constant 64 : i32
    %dma_wait3A_167 = tpu.memref_slice %arg4[%add3A_159, %dma_wait3A_166] : memref<102400x128xf32, #tpu.memory_space<hbm>> -> memref<640x64xf32, #tpu.memory_space<hbm>>
    tpu.wait_dma2 semaphore(%arg12 : memref<!tpu.dma_semaphore, #tpu.memory_space<semaphore_mem>>) src(%arg7 : memref<640x64xf32, #tpu.memory_space<vmem>>) dst(%dma_wait3A_167 : memref<640x64xf32, #tpu.memory_space<hbm>>)
    %dma_start3A_168 = arith.constant 5760 : i32
    %dma_start3A_169 = tpu.memref_slice %arg5[%dma_start3A_168] : memref<6400xi32, #tpu.memory_space<vmem>> -> memref<640xi32, #tpu.memory_space<vmem>>
    %dma_start3A_170 = arith.constant 0 : i32
    %dma_start3A_171 = arith.constant 0 : i32
    %dma_start3A_172 = tpu.memref_slice %arg3[%dma_start3A_170, %dma_start3A_171] : memref<100000x64xf32, #tpu.memory_space<hbm>> -> memref<100000x64xf32, #tpu.memory_space<hbm>>
    tpu.enqueue_indirect_dma source(%dma_start3A_172 : memref<100000x64xf32, #tpu.memory_space<hbm>>) target(%arg7 : memref<640x64xf32, #tpu.memory_space<vmem>>) offsets(%dma_start3A_169 : memref<640xi32, #tpu.memory_space<vmem>>) semaphore(%arg10 : memref<!tpu.dma_semaphore, #tpu.memory_space<semaphore_mem>>)
    %dma_wait3A_173 = arith.constant 2560 : i32
    %dma_wait3A_174 = tpu.memref_slice %arg5[%dma_wait3A_173] : memref<6400xi32, #tpu.memory_space<vmem>> -> memref<640xi32, #tpu.memory_space<vmem>>
    %dma_wait3A_175 = arith.constant 0 : i32
    %dma_wait3A_176 = arith.constant 0 : i32
    %dma_wait3A_177 = tpu.memref_slice %arg3[%dma_wait3A_175, %dma_wait3A_176] : memref<100000x64xf32, #tpu.memory_space<hbm>> -> memref<100000x64xf32, #tpu.memory_space<hbm>>
    tpu.wait_indirect_dma semaphore(%arg9 : memref<!tpu.dma_semaphore, #tpu.memory_space<semaphore_mem>>) src(%dma_wait3A_177 : memref<100000x64xf32, #tpu.memory_space<hbm>>) dst(%arg6 : memref<640x64xf32, #tpu.memory_space<vmem>>)
    %add3A_178 = arith.constant 2560 : i32
    %add3A_179 = arith.addi %mul3A_2, %add3A_178 : i32
    %dma_start3A_180 = arith.constant 0 : i32
    %dma_start3A_181 = tpu.memref_slice %arg4[%add3A_179, %dma_start3A_180] : memref<102400x128xf32, #tpu.memory_space<hbm>> -> memref<640x64xf32, #tpu.memory_space<hbm>>
    %dma_start3A_182 = arith.constant 0 : i32
    %dma_start3A_183 = tpu.memref_slice %arg4[%add3A_179, %dma_start3A_182] : memref<102400x128xf32, #tpu.memory_space<hbm>> -> memref<640x64xf32, #tpu.memory_space<hbm>>
    tpu.enqueue_dma source(%arg6 : memref<640x64xf32, #tpu.memory_space<vmem>>) target(%dma_start3A_183 : memref<640x64xf32, #tpu.memory_space<hbm>>) target_semaphore(%arg11 : memref<!tpu.dma_semaphore, #tpu.memory_space<semaphore_mem>>)
    %dma_wait3A_184 = arith.constant 5760 : i32
    %dma_wait3A_185 = tpu.memref_slice %arg5[%dma_wait3A_184] : memref<6400xi32, #tpu.memory_space<vmem>> -> memref<640xi32, #tpu.memory_space<vmem>>
    %dma_wait3A_186 = arith.constant 0 : i32
    %dma_wait3A_187 = arith.constant 0 : i32
    %dma_wait3A_188 = tpu.memref_slice %arg3[%dma_wait3A_186, %dma_wait3A_187] : memref<100000x64xf32, #tpu.memory_space<hbm>> -> memref<100000x64xf32, #tpu.memory_space<hbm>>
    tpu.wait_indirect_dma semaphore(%arg10 : memref<!tpu.dma_semaphore, #tpu.memory_space<semaphore_mem>>) src(%dma_wait3A_188 : memref<100000x64xf32, #tpu.memory_space<hbm>>) dst(%arg7 : memref<640x64xf32, #tpu.memory_space<vmem>>)
    %add3A_189 = arith.constant 2560 : i32
    %add3A_190 = arith.addi %mul3A_2, %add3A_189 : i32
    %dma_start3A_191 = arith.constant 64 : i32
    %dma_start3A_192 = tpu.memref_slice %arg4[%add3A_190, %dma_start3A_191] : memref<102400x128xf32, #tpu.memory_space<hbm>> -> memref<640x64xf32, #tpu.memory_space<hbm>>
    %dma_start3A_193 = arith.constant 64 : i32
    %dma_start3A_194 = tpu.memref_slice %arg4[%add3A_190, %dma_start3A_193] : memref<102400x128xf32, #tpu.memory_space<hbm>> -> memref<640x64xf32, #tpu.memory_space<hbm>>
    tpu.enqueue_dma source(%arg7 : memref<640x64xf32, #tpu.memory_space<vmem>>) target(%dma_start3A_194 : memref<640x64xf32, #tpu.memory_space<hbm>>) target_semaphore(%arg12 : memref<!tpu.dma_semaphore, #tpu.memory_space<semaphore_mem>>)
    %dma_wait3A_195 = arith.constant 0 : i32
    %dma_wait3A_196 = tpu.memref_slice %arg4[%add3A_179, %dma_wait3A_195] : memref<102400x128xf32, #tpu.memory_space<hbm>> -> memref<640x64xf32, #tpu.memory_space<hbm>>
    %dma_wait3A_197 = arith.constant 0 : i32
    %dma_wait3A_198 = tpu.memref_slice %arg4[%add3A_179, %dma_wait3A_197] : memref<102400x128xf32, #tpu.memory_space<hbm>> -> memref<640x64xf32, #tpu.memory_space<hbm>>
    tpu.wait_dma2 semaphore(%arg11 : memref<!tpu.dma_semaphore, #tpu.memory_space<semaphore_mem>>) src(%arg6 : memref<640x64xf32, #tpu.memory_space<vmem>>) dst(%dma_wait3A_198 : memref<640x64xf32, #tpu.memory_space<hbm>>)
    %dma_wait3A_199 = arith.constant 64 : i32
    %dma_wait3A_200 = tpu.memref_slice %arg4[%add3A_190, %dma_wait3A_199] : memref<102400x128xf32, #tpu.memory_space<hbm>> -> memref<640x64xf32, #tpu.memory_space<hbm>>
    %dma_wait3A_201 = arith.constant 64 : i32
    %dma_wait3A_202 = tpu.memref_slice %arg4[%add3A_190, %dma_wait3A_201] : memref<102400x128xf32, #tpu.memory_space<hbm>> -> memref<640x64xf32, #tpu.memory_space<hbm>>
    tpu.wait_dma2 semaphore(%arg12 : memref<!tpu.dma_semaphore, #tpu.memory_space<semaphore_mem>>) src(%arg7 : memref<640x64xf32, #tpu.memory_space<vmem>>) dst(%dma_wait3A_202 : memref<640x64xf32, #tpu.memory_space<hbm>>)
    return
  }
}

</mosaic_0001>

<sc_bundles>
// kernel: kernel.3.cloned.1.call-start
scs
__scs_entry_jumppad:
0x0: {  	(pc) =	sbr.rel $0x88, $3  }
0x1: {  	(tag) =	ssettag $0x0;
	lr =	simm.s32 $0x1  }
0x2: {  	[smem:$0x3F9F] =	sst lr;
	_ =	strace $0xD0000000  }
0x3: {  	_ = 	snop  }
0x4: {  	_ = 	snop  }
0x5: {  	_ = 	snop  }
0x6: {  	_ = 	snop  }
0x7: {  	_ = 	snop  }
__scs_overlays_trampoline_lowered:
0x8: {  	[smem:$0x3FAE] =	sst s0  }
0x9: {  	[smem:$0x3FAF] =	sst s1  }
0xa: {  	[smem:$0x3FB0] =	sst s2  }
0xb: {  	[smem:$0x3FB1] =	sst s3  }
0xc: {  	[smem:$0x3FB2] =	sst s4  }
0xd: {  	[smem:$0x3FB3] =	sst s5  }
0xe: {  	[smem:$0x3FB4] =	sst s6  }
0xf: {  	[smem:$0x3FB5] =	sst s7  }
0x10: {  	[smem:$0x3FB6] =	sst s8  }
0x11: {  	[smem:$0x3FB7] =	sst s9;
	s0 =	simm.s32 @!p0 $0x0  }
0x12: {  	s1 =	sld [smem:$0x3F9D];
	s0 =	simm.s32 @p0 $0x1  }
0x13: {  	[smem:$0x3FB8] =	sst s0;
	s0 =	simm.s32 @!p1 $0x0  }
0x14: {  	s2 =	sld [smem:$0x3F9C];
	s0 =	simm.s32 @p1 $0x1  }
0x15: {  	[smem:$0x3FB9] =	sst s0;
	s0 =	simm.s32 @!p2 $0x0  }
0x16: {  	s3 =	sld [smem:$0x3FDB];
	s0 =	simm.s32 @p2 $0x1  }
0x17: {  	s4 =	simm.s32 $0x1BF5;
	[smem:$0x3FBB] =	sst s0  }
0x18: {  	s0 =	sld [smem:$0x3F9E];
	_ =	swait.ge [sflag:s4], $0x0  }
0x19: {  	s7 =	sld [smem:$0x3F9F]  }
0x1a: {  	s8 =	sadd.s32 $0xFFFFE003, lr  }
0x1b: {  	s9 =	sadd.s32 $0xFFFFFEF7, lr;
	s5 =	simm.s32 $0xFFFFFFFF;
	p2 =	slt.u32 s8, $0xFFFFF086  }
0x1c: {  	p1 =	slt.u32 s9, $0xF7A;
	s5 =	simm.s32 @!p2 $0x0  }
0x1d: {  	s5 =	simm.s32 @p1 $0x1;
	p0 =	seq.s32 s7, s2  }
0x1e: {  	s7 =	smul.u32 @!p0 $0xF7A, s2;
	p2 =	seq.s32 @!p0 s5, $0x0  }
0x1f: {  	s9 =	smul.u32 $0xF7A, s1;
	s8 =	simm.s32 @!p0 $0x1BF5;
	p2 =	por !p2, p0  }
0x20: {  	[sflag:s8] =	ssyncset.s32 @!p0 $0xFFFFF086;
	s6 =	sadd.s32 @!p0 s3, s7;
	s7 =	simm.s32 @!p0 $0x108  }
0x21: {  	s3 =	sadd.s32 s3, s9;
	s6 =	sadd.s32 @!p0 $0x88, s6;
	s7 =	simm.s32 @p2 $0x1082  }
0x22: {  	[simem:s7], [sflag:s8] =	dma.local @!p0 [hbm:s6], $0xF7A  }
0x23: {  	s9 =	sor.u32 $0xD0000000, s2;
	s6 =	simm.s32 $0x108;
	_ =	swait.ge @!p0 [sflag:s8], $0x0  }
0x24: {  	s3 =	sadd.s32 $0x88, s3;
	s6 =	simm.s32 @!p1 $0x1082;
	[sflag:s4] =	ssyncset.s32 $0xFFFFF086  }
0x25: {  	[simem:s6], [sflag:s4] =	dma.local [hbm:s3], $0xF7A  }
0x26: {  	[smem:$0x3F9F] =	sst s1;
	(tag) =	ssettag s2;
	_ =	strace s9  }
0x27: {  	s1 =	sld [smem:$0x3FAF]  }
0x28: {  	s2 =	sld [smem:$0x3FB0]  }
0x29: {  	s4 =	sld [smem:$0x3FB2]  }
0x2a: {  	p0 =	seq.s32 s5, $0x0;
	s5 =	sld [smem:$0x3FB3]  }
0x2b: {  	s6 =	sld [smem:$0x3FB4]  }
0x2c: {  	s7 =	sld [smem:$0x3FB5]  }
0x2d: {  	s3 =	simm.s32 $0x108;
	s8 =	sld [smem:$0x3FB6]  }
0x2e: {  	s3 =	simm.s32 @!p0 $0x1082;
	s9 =	sld [smem:$0x3FB7]  }
0x2f: {  	lr =	sadd.s32 s0, s3;
	s0 =	sld [smem:$0x3FAE]  }
0x30: {  	s3 =	sld [smem:$0x3FB1]  }
0x31: {  	[smem:$0x3FBA] =	sst s10  }
0x32: {  	s10 =	sld [smem:$0x3FB8];
	_ =	sdelay $0x3  }
0x33: {  	p0 =	seq.s32 s10, $0x1;
	s10 =	sld [smem:$0x3FBA];
	_ =	sdelay $0x3  }
0x34: {  	[smem:$0x3FBA] =	sst s10  }
0x35: {  	s10 =	sld [smem:$0x3FB9];
	_ =	sdelay $0x3  }
0x36: {  	p1 =	seq.s32 s10, $0x1;
	s10 =	sld [smem:$0x3FBA];
	_ =	sdelay $0x3  }
0x37: {  	[smem:$0x3FBA] =	sst s10  }
0x38: {  	s10 =	sld [smem:$0x3FBB]  }
0x39: {  	_ = 	snop;
	(pc) =	sbr.ind lr, $3  }
0x3a: {  	_ = 	snop  }
0x3b: {  	_ = 	snop  }
0x3c: {  	p2 =	seq.s32 s10, $0x1;
	s10 =	sld [smem:$0x3FBA]  }
0x3d: {  	_ =	shalt  }
0x3e: {  	_ =	shalt  }
0x3f: {  	_ =	shalt  }
0x40: {  	_ =	shalt  }
0x41: {  	_ =	shalt  }
0x42: {  	_ =	shalt  }
0x43: {  	_ =	shalt  }
0x44: {  	_ =	shalt  }
0x45: {  	_ =	shalt  }
0x46: {  	_ =	shalt  }
0x47: {  	_ =	shalt  }
0x48: {  	_ =	shalt  }
0x49: {  	_ =	shalt  }
0x4a: {  	_ =	shalt  }
0x4b: {  	_ =	shalt  }
0x4c: {  	_ =	shalt  }
0x4d: {  	_ =	shalt  }
0x4e: {  	_ =	shalt  }
0x4f: {  	_ =	shalt  }
0x50: {  	_ =	shalt  }
0x51: {  	_ =	shalt  }
0x52: {  	_ =	shalt  }
0x53: {  	_ =	shalt  }
0x54: {  	_ =	shalt  }
0x55: {  	_ =	shalt  }
0x56: {  	_ =	shalt  }
0x57: {  	_ =	shalt  }
0x58: {  	_ =	shalt  }
0x59: {  	_ =	shalt  }
0x5a: {  	_ =	shalt  }
0x5b: {  	_ =	shalt  }
0x5c: {  	_ =	shalt  }
0x5d: {  	_ =	shalt  }
0x5e: {  	_ =	shalt  }
0x5f: {  	_ =	shalt  }
0x60: {  	_ =	shalt  }
0x61: {  	_ =	shalt  }
0x62: {  	_ =	shalt  }
0x63: {  	_ =	shalt  }
0x64: {  	_ =	shalt  }
0x65: {  	_ =	shalt  }
0x66: {  	_ =	shalt  }
0x67: {  	_ =	shalt  }
0x68: {  	_ =	shalt  }
0x69: {  	_ =	shalt  }
0x6a: {  	_ =	shalt  }
0x6b: {  	_ =	shalt  }
0x6c: {  	_ =	shalt  }
0x6d: {  	_ =	shalt  }
0x6e: {  	_ =	shalt  }
0x6f: {  	_ =	shalt  }
0x70: {  	_ =	shalt  }
0x71: {  	_ =	shalt  }
0x72: {  	_ =	shalt  }
0x73: {  	_ =	shalt  }
0x74: {  	_ =	shalt  }
0x75: {  	_ =	shalt  }
0x76: {  	_ =	shalt  }
0x77: {  	_ =	shalt  }
0x78: {  	_ =	shalt  }
0x79: {  	_ =	shalt  }
0x7a: {  	_ =	shalt  }
0x7b: {  	_ =	shalt  }
0x7c: {  	_ =	shalt  }
0x7d: {  	_ =	shalt  }
0x7e: {  	_ =	shalt  }
0x7f: {  	_ =	shalt  }
0x80: {  	_ =	shalt  }
0x81: {  	_ =	shalt  }
0x82: {  	_ =	shalt  }
0x83: {  	_ =	shalt  }
0x84: {  	_ =	shalt  }
0x85: {  	_ =	shalt  }
0x86: {  	_ =	shalt  }
0x87: {  	_ =	shalt  }
.Lfunc_end0:
.L_simem_size_0:
called_computation.1_lowered:
.L_overlay_start_0:
0x88: {  	s2 =	sld [smem:$0x3FD9]  }
0x89: {  	s3 =	sld [smem:$0x3FFE];
	_ =	sdelay $0x1  }
0x8a: {  	s1 =	srdreg.scid  }
0x8b: {  	s0 =	sand.u32 $0x1, s1  }
0x8c: {  	s17 =	sshll.u32 s0, $0xA;
	s2 =	sadd.s32 s3, s2  }
0x8d: {  	s2 =	sadd.s32 s2, s17  }
0x8e: {  	[smem:$0x3FC6] =	sst s2  }
0x8f: {  	_ = 	snop  }
0x90: {  	s2 =	sld [smem:$0x3FD0];
	(tm) =	ssettm $0x1  }
0x91: {  	s18 =	sld [smem:$0x3FFB];
	_ =	sdelay $0x3  }
0x92: {  	_ =	strace s18  }
0x93: {  	s3 =	sld [smem:$0x3FFC];
	_ =	sdelay $0x3  }
0x94: {  	_ =	strace s3  }
0x95: {  	s3 =	sld [smem:$0x3FFD];
	_ =	sdelay $0x3  }
0x96: {  	_ =	strace s3  }
0x97: {  	_ =	strace $0x8FFFFFFF  }
0x98: {  	s19 =	sld [smem:$0x3FDB];
	_ =	sdelay $0x1  }
0x99: {  	s4 =	simm.s32 $_scs_section_size  }
0x9a: {  	s5 =	simm.s32 $_size__tile_overlayer_lowered;
	s6 =	simm.s32 $_tile_overlayer_lowered  }
0x9b: {  	s22 =	simm.s32 $0x1BFF;
	s21 =	sshll.u32 s6, $0x1;
	s3 =	sadd.s32 s4, s19  }
0x9c: {  	s7 =	simm.s32 $0x0;
	s20 =	sshll.u32 s5, $0x1;
	s5 =	sadd.s32 s21, s3  }
0x9d: {  	[timem:s7], [sflag:s22] =	dma.local [hbm:s5], s20  }
0x9e: {  	_ =	swait.ge [sflag:s22], s20  }
0x9f: {  	s4 =	ssub.s32 $0x0, s20;
	[sflag:s22] =	ssyncset.done $0x0  }
0xa0: {  	[sflag:s22] =	ssyncadd.s32 s4;
	_ =	sdelay $0x1  }
0xa1: {  	s23 =	simm.s32 $0x1B8B  }
0xa2: {  	_ =	swait.ge [sflag:s23], $0x1  }
0xa3: {  	[sflag:s23] =	ssyncset.done $0x0  }
0xa4: {  	s25 =	simm.s32 $0x1B8E;
	s24 =	sld [smem:$0x3FFE];
	[sflag:s23] =	ssyncadd.s32 $0xFFFFFFFF  }
0xa5: {  	s26 =	simm.s32 $execute0_lowered;
	[smem:$0x3FD2] =	sst s25  }
0xa6: {  	s5 =	sshll.u32 s26, $0x1;
	_ =	strace $0x80000046;
	[dreg:$0x1] =	wrdreg $0xFFFFFFFF  }
0xa7: {  	s28 =	simm.s32 $_size_execute0_lowered;
	s3 =	sadd.s32 s3, s5;
	[dreg:$0x0] =	wrdreg $0x0  }
0xa8: {  	s5 =	sshll.u32 s28, $0x1;
	[dreg:$0x2] =	wrdreg s3  }
0xa9: {  	[dreg:$0x3] =	wrdreg s5  }
0xaa: {  	[dreg:$0x4] =	wrdreg $0xC0  }
0xab: {  	_ =	task [dreg:s7], $0x5FFFF  }
0xac: {  	[dreg:$0x1] =	wrdreg $0xFFFFFFFF  }
0xad: {  	[dreg:$0x0] =	wrdreg $0x60  }
0xae: {  	[dreg:$0x2] =	wrdreg s24  }
0xaf: {  	[dreg:$0x3] =	wrdreg s2  }
0xb0: {  	[dreg:$0x4] =	wrdreg $0x9  }
0xb1: {  	_ =	task.clear_ibuf [dreg:s7], $0x5FFFF;
	_ =	strace $0x90000046  }
0xb2: {  	s29 =	simm.s32 $0x9;
	_ =	strace $0x80000048  }
0xb3: {  	_ =	swait.ge [sflag:s29], $0x1  }
0xb4: {  	[sflag:s29] =	ssyncadd.s32 $0xFFFFFFFF  }
0xb5: {  	_ =	strace $0x90000048  }
0xb6: {  	_ =	sfence  }
0xb7: {  	s30 =	sld [smem:$0x0];
	_ =	sdelay $0x2  }
0xb8: {  	s31 =	sshll.u32 s1, $0xD;
	s1 =	sshrl.u32 s1, $0x2  }
0xb9: {  	s3 =	sand.u32 $0x4000, s31;
	s1 =	sadd.s32 s1, s30  }
0xba: {  	s0 =	sor.u32 s3, s0;
	s1 =	sshll.u32 s1, $0x11  }
0xbb: {  	s0 =	sor.u32 s1, s0  }
0xbc: {  	s0 =	sadd.s32 $0x8F2B, s0  }
0xbd: {  	[sflag:s0] =	ssyncadd.remote.s32 $0x1  }
0xbe: {  	_ =	sfence.sel $0xFFFF  }
0xbf: {  	[dreg:$0x0] =	wrdreg $0xFFFFFFFF;
	(pc) =	sbr.abs _section_cstart, $3  }
0xc0: {  	[dreg:$0x1] =	wrdreg $0xFFFFFFFF  }
0xc1: {  	_ =	task.clear_ibuf [dreg:s7], $0x2FFFF;
	_ =	strace $0x9FFFFFFF  }
0xc2: {  	(tm) =	ssettm $0x7FFFFFFF  }
0xc3: {  	_ =	shalt  }
tec
execute0_lowered:
.L_overlay_start_1:
0x0: {  	(tag) =	ssettag $0x1  }
0x1: {  	s1 =	srdreg.scid;
	s0 =	stileid.u32  }
0x2: {  	s1 =	sand.u32 $0x1, s1;
	s2 =	sshll.u32 s0, $0x1  }
0x3: {  	s3 =	sor.u32 s1, s2  }
0x4: {  	s6 =	rddreg [dreg:$0x0];
	s4 =	smul.u32 $0xC80, s3  }
0x5: {  	s5 =	rddreg [dreg:$0x1]  }
0x6: {  	s2 =	simm.s32 $0x0;
	s3 =	smul.u32 $0x64000, s3;
	s4 =	sshrl.u32 s4, $0x3  }
0x7: {  	[smem:$0x7FF] =	sst s2;
	s4 =	sadd.s32 s4, s6  }
0x8: {  	_ =	strace $0x80000047;
	s3 =	sshrl.u32 s3, $0x3;
	s7 =	sadd.s32 $0x2400, s4  }
0x9: {  	s3 =	sadd.s32 s5, s3;
	s4 =	sadd.s32 $0x5600, s4;
	[dreg:$0x3] =	wrdreg s7  }
0xa: {  	s25 =	sadd.s32 $0x8, s3;
	[dreg:$0x4] =	wrdreg s4  }
0xb: {  	[dreg:$0x5] =	wrdreg s25  }
0xc: {  	s4 =	simm.s32 $0x5;
	s24 =	rddreg [dreg:$0x3]  }
0xd: {  	[tilespmem:s2], [sflag:$0x5] =	stream.linear.gather [hbm4b:s24+s2], $0xC80, $0x38;
	[tilespmem:$0x15900] =	vst v63  }
0xe: {  	_ =	swait.ge [sflag:s4], $0xC80  }
0xf: {  	[sflag:s4] =	ssyncset.done $0x0  }
0x10: {  	s5 =	simm.s32 $0xC80;
	s26 =	rddreg [dreg:$0x4];
	[sflag:s4] =	ssyncadd.s32 $0xFFFFF380  }
0x11: {  	[tilespmem:s5], [sflag:$0x5] =	stream.linear.gather [hbm4b:s26+s2], $0xC80, $0x38;
	[tilespmem:$0x15900] =	vst v63  }
0x12: {  	_ =	swait.ge [sflag:s4], $0xC80  }
0x13: {  	s8 =	simm.s32 $0x1900;
	[sflag:s4] =	ssyncset.done $0x0  }
0x14: {  	s6 =	sadd.s32 $0x8800, s6;
	s7 =	simm.s32 $0x280;
	[sflag:s4] =	ssyncadd.s32 $0xFFFFF380  }
0x15: {  	[tilespmem:s8], [sflag:$0x1] =	stream.indirect.gather [hbm4b:s6+s7], $0x40, s2, s7, $0xb8;
	[tilespmem:$0x15900] =	vst v63  }
0x16: {  	s9 =	simm.s32 $0xB900;
	s10 =	simm.s32 $0x1  }
0x17: {  	[tilespmem:s9], [sflag:$0x2] =	stream.indirect.gather [hbm4b:s6+s7], $0x40, s5, s7, $0xb8;
	[tilespmem:$0x15900] =	vst v63  }
0x18: {  	_ =	swait.ge [sflag:s10], $0xA000  }
0x19: {  	s11 =	simm.s32 $0x40;
	[sflag:s10] =	ssyncset.done $0x0  }
0x1a: {  	s12 =	simm.s32 $0x80;
	s13 =	simm.s32 $0x3;
	[sflag:s10] =	ssyncadd.s32 $0xFFFF6000  }
0x1b: {  	[hbm4b:s3+s11] =	stream.strided.scatter [tilespmem:s8], [sflag:$0x3], $0xA000, s12, s11, $0x38;
	[tilespmem:$0x15900] =	vst v63  }
0x1c: {  	_ =	swait.ge [sflag:s13], $0xA000  }
0x1d: {  	[sflag:s13] =	ssyncset.done $0x0  }
0x1e: {  	s14 =	simm.s32 $0x2;
	[sflag:s13] =	ssyncadd.s32 $0xFFFF6000  }
0x1f: {  	[tilespmem:s8], [sflag:$0x1] =	stream.indirect.gather [hbm4b:s6+s7], $0x40, s7, s7, $0xb8;
	[tilespmem:$0x15900] =	vst v63  }
0x20: {  	_ =	swait.ge [sflag:s14], $0xA000  }
0x21: {  	[sflag:s14] =	ssyncset.done $0x0  }
0x22: {  	s15 =	simm.s32 $0x4;
	s16 =	rddreg [dreg:$0x5];
	[sflag:s14] =	ssyncadd.s32 $0xFFFF6000  }
0x23: {  	[hbm4b:s16+s11] =	stream.strided.scatter [tilespmem:s9], [sflag:$0x4], $0xA000, s12, s11, $0x38;
	[tilespmem:$0x15900] =	vst v63  }
0x24: {  	_ =	swait.ge [sflag:s15], $0xA000  }
0x25: {  	[sflag:s15] =	ssyncset.done $0x0  }
0x26: {  	s16 =	simm.s32 $0xF00;
	[sflag:s15] =	ssyncadd.s32 $0xFFFF6000  }
0x27: {  	[tilespmem:s9], [sflag:$0x2] =	stream.indirect.gather [hbm4b:s6+s7], $0x40, s16, s7, $0xb8;
	[tilespmem:$0x15900] =	vst v63  }
0x28: {  	_ =	swait.ge [sflag:s10], $0xA000  }
0x29: {  	[sflag:s10] =	ssyncset.done $0x0  }
0x2a: {  	s17 =	sadd.s32 $0x2800, s3;
	[sflag:s10] =	ssyncadd.s32 $0xFFFF6000  }
0x2b: {  	[hbm4b:s17+s11] =	stream.strided.scatter [tilespmem:s8], [sflag:$0x3], $0xA000, s12, s11, $0x38;
	[tilespmem:$0x15900] =	vst v63  }
0x2c: {  	_ =	swait.ge [sflag:s13], $0xA000  }
0x2d: {  	[sflag:s13] =	ssyncset.done $0x0  }
0x2e: {  	s18 =	simm.s32 $0x500;
	[sflag:s13] =	ssyncadd.s32 $0xFFFF6000  }
0x2f: {  	[tilespmem:s8], [sflag:$0x1] =	stream.indirect.gather [hbm4b:s6+s7], $0x40, s18, s7, $0xb8;
	[tilespmem:$0x15900] =	vst v63  }
0x30: {  	_ =	swait.ge [sflag:s14], $0xA000  }
0x31: {  	[sflag:s14] =	ssyncset.done $0x0  }
0x32: {  	s19 =	sadd.s32 $0x2808, s3;
	[sflag:s14] =	ssyncadd.s32 $0xFFFF6000  }
0x33: {  	[hbm4b:s19+s11] =	stream.strided.scatter [tilespmem:s9], [sflag:$0x4], $0xA000, s12, s11, $0x38;
	[tilespmem:$0x15900] =	vst v63  }
0x34: {  	_ =	swait.ge [sflag:s15], $0xA000  }
0x35: {  	[sflag:s15] =	ssyncset.done $0x0  }
0x36: {  	s20 =	simm.s32 $0x1180;
	[sflag:s15] =	ssyncadd.s32 $0xFFFF6000  }
0x37: {  	[tilespmem:s9], [sflag:$0x2] =	stream.indirect.gather [hbm4b:s6+s7], $0x40, s20, s7, $0xb8;
	[tilespmem:$0x15900] =	vst v63  }
0x38: {  	_ =	swait.ge [sflag:s10], $0xA000  }
0x39: {  	[sflag:s10] =	ssyncset.done $0x0  }
0x3a: {  	s21 =	sadd.s32 $0x5000, s3;
	[sflag:s10] =	ssyncadd.s32 $0xFFFF6000  }
0x3b: {  	[hbm4b:s21+s11] =	stream.strided.scatter [tilespmem:s8], [sflag:$0x3], $0xA000, s12, s11, $0x38;
	[tilespmem:$0x15900] =	vst v63  }
0x3c: {  	_ =	swait.ge [sflag:s13], $0xA000  }
0x3d: {  	[sflag:s13] =	ssyncset.done $0x0  }
0x3e: {  	s22 =	simm.s32 $0x780;
	[sflag:s13] =	ssyncadd.s32 $0xFFFF6000  }
0x3f: {  	[tilespmem:s8], [sflag:$0x1] =	stream.indirect.gather [hbm4b:s6+s7], $0x40, s22, s7, $0xb8;
	[tilespmem:$0x15900] =	vst v63  }
0x40: {  	_ =	swait.ge [sflag:s14], $0xA000  }
0x41: {  	[sflag:s14] =	ssyncset.done $0x0  }
0x42: {  	s23 =	sadd.s32 $0x5008, s3;
	[sflag:s14] =	ssyncadd.s32 $0xFFFF6000  }
0x43: {  	[hbm4b:s23+s11] =	stream.strided.scatter [tilespmem:s9], [sflag:$0x4], $0xA000, s12, s11, $0x38;
	[tilespmem:$0x15900] =	vst v63  }
0x44: {  	_ =	swait.ge [sflag:s15], $0xA000  }
0x45: {  	[sflag:s15] =	ssyncset.done $0x0  }
0x46: {  	s24 =	simm.s32 $0x1400;
	[sflag:s15] =	ssyncadd.s32 $0xFFFF6000  }
0x47: {  	[tilespmem:s9], [sflag:$0x2] =	stream.indirect.gather [hbm4b:s6+s7], $0x40, s24, s7, $0xb8;
	[tilespmem:$0x15900] =	vst v63  }
0x48: {  	_ =	swait.ge [sflag:s10], $0xA000  }
0x49: {  	[sflag:s10] =	ssyncset.done $0x0  }
0x4a: {  	s25 =	sadd.s32 $0x7800, s3;
	[sflag:s10] =	ssyncadd.s32 $0xFFFF6000  }
0x4b: {  	[hbm4b:s25+s11] =	stream.strided.scatter [tilespmem:s8], [sflag:$0x3], $0xA000, s12, s11, $0x38;
	[tilespmem:$0x15900] =	vst v63  }
0x4c: {  	_ =	swait.ge [sflag:s13], $0xA000  }
0x4d: {  	[sflag:s13] =	ssyncset.done $0x0  }
0x4e: {  	s26 =	simm.s32 $0xA00;
	[sflag:s13] =	ssyncadd.s32 $0xFFFF6000  }
0x4f: {  	[tilespmem:s8], [sflag:$0x1] =	stream.indirect.gather [hbm4b:s6+s7], $0x40, s26, s7, $0xb8;
	[tilespmem:$0x15900] =	vst v63  }
0x50: {  	_ =	swait.ge [sflag:s14], $0xA000  }
0x51: {  	[sflag:s14] =	ssyncset.done $0x0  }
0x52: {  	s28 =	sadd.s32 $0x7808, s3;
	[sflag:s14] =	ssyncadd.s32 $0xFFFF6000  }
0x53: {  	[hbm4b:s28+s11] =	stream.strided.scatter [tilespmem:s9], [sflag:$0x4], $0xA000, s12, s11, $0x38;
	[tilespmem:$0x15900] =	vst v63  }
0x54: {  	_ =	swait.ge [sflag:s15], $0xA000  }
0x55: {  	[sflag:s15] =	ssyncset.done $0x0  }
0x56: {  	s29 =	simm.s32 $0x1680;
	[sflag:s15] =	ssyncadd.s32 $0xFFFF6000  }
0x57: {  	[tilespmem:s9], [sflag:$0x2] =	stream.indirect.gather [hbm4b:s6+s7], $0x40, s29, s7, $0xb8;
	[tilespmem:$0x15900] =	vst v63  }
0x58: {  	_ =	swait.ge [sflag:s10], $0xA000  }
0x59: {  	s1 =	ssub.s32 $0x2, s1;
	[sflag:s10] =	ssyncset.done $0x0  }
0x5a: {  	s0 =	sshrl.u32 s1, $0x1;
	s30 =	sadd.s32 $0xA000, s3;
	[sflag:s10] =	ssyncadd.s32 $0xFFFF6000  }
0x5b: {  	[hbm4b:s30+s11] =	stream.strided.scatter [tilespmem:s8], [sflag:$0x3], $0xA000, s12, s11, $0x38;
	[tilespmem:$0x15900] =	vst v63  }
0x5c: {  	s0 =	ssub.s32 s1, s0;
	_ =	swait.ge [sflag:s14], $0xA000  }
0x5d: {  	s0 =	smax.u32 s0, $0x1;
	[sflag:s14] =	ssyncset.done $0x0  }
0x5e: {  	p0 =	sne.s32 s0, $0x1;
	s31 =	sadd.s32 $0xA008, s3;
	[sflag:s14] =	ssyncadd.s32 $0xFFFF6000  }
0x5f: {  	[hbm4b:s31+s11] =	stream.strided.scatter [tilespmem:s9], [sflag:$0x4], $0xA000, s12, s11, $0x38;
	[tilespmem:$0x15900] =	vst v63  }
.Ltmp0:
0x60: {  	_ =	swait.ge [sflag:s13], $0xA000;
	(pc) =	sbr.rel @!p0 .LBB2_2-.Ltmp0, $4  }
0x61: {  	[sflag:s13] =	ssyncset.done $0x0  }
0x62: {  	[sflag:s13] =	ssyncadd.s32 $0xFFFF6000  }
0x63: {  	_ =	swait.ge [sflag:s15], $0xA000  }
0x64: {  	s1 =	sadd.s32 $0xFFFFFFFF, s0;
	[sflag:s15] =	ssyncset.done $0x0  }
.LBB2_1:
0x65: {  	s0 =	rddreg [dreg:$0x3];
	[sflag:s15] =	ssyncadd.s32 $0xFFFF6000  }
0x66: {  	[tilespmem:s2], [sflag:$0x5] =	stream.linear.gather [hbm4b:s0+s2], $0xC80, $0x38;
	[tilespmem:$0x15900] =	vst v63  }
0x67: {  	_ =	swait.ge [sflag:s4], $0xC80  }
0x68: {  	[sflag:s4] =	ssyncset.done $0x0  }
0x69: {  	s0 =	rddreg [dreg:$0x4];
	[sflag:s4] =	ssyncadd.s32 $0xFFFFF380  }
0x6a: {  	[tilespmem:s5], [sflag:$0x5] =	stream.linear.gather [hbm4b:s0+s2], $0xC80, $0x38;
	[tilespmem:$0x15900] =	vst v63  }
0x6b: {  	_ =	swait.ge [sflag:s4], $0xC80  }
0x6c: {  	[sflag:s4] =	ssyncset.done $0x0  }
0x6d: {  	[sflag:s4] =	ssyncadd.s32 $0xFFFFF380  }
0x6e: {  	[tilespmem:s8], [sflag:$0x1] =	stream.indirect.gather [hbm4b:s6+s7], $0x40, s2, s7, $0xb8;
	[tilespmem:$0x15900] =	vst v63  }
0x6f: {  	_ = 	snop  }
0x70: {  	[tilespmem:s9], [sflag:$0x2] =	stream.indirect.gather [hbm4b:s6+s7], $0x40, s5, s7, $0xb8;
	[tilespmem:$0x15900] =	vst v63  }
0x71: {  	_ =	swait.ge [sflag:s10], $0xA000  }
0x72: {  	[sflag:s10] =	ssyncset.done $0x0  }
0x73: {  	[sflag:s10] =	ssyncadd.s32 $0xFFFF6000  }
0x74: {  	[hbm4b:s3+s11] =	stream.strided.scatter [tilespmem:s8], [sflag:$0x3], $0xA000, s12, s11, $0x38;
	[tilespmem:$0x15900] =	vst v63  }
0x75: {  	_ =	swait.ge [sflag:s13], $0xA000  }
0x76: {  	[sflag:s13] =	ssyncset.done $0x0  }
0x77: {  	[sflag:s13] =	ssyncadd.s32 $0xFFFF6000  }
0x78: {  	[tilespmem:s8], [sflag:$0x1] =	stream.indirect.gather [hbm4b:s6+s7], $0x40, s7, s7, $0xb8;
	[tilespmem:$0x15900] =	vst v63  }
0x79: {  	_ =	swait.ge [sflag:s14], $0xA000  }
0x7a: {  	[sflag:s14] =	ssyncset.done $0x0  }
0x7b: {  	s0 =	rddreg [dreg:$0x5];
	[sflag:s14] =	ssyncadd.s32 $0xFFFF6000  }
0x7c: {  	[hbm4b:s0+s11] =	stream.strided.scatter [tilespmem:s9], [sflag:$0x4], $0xA000, s12, s11, $0x38;
	[tilespmem:$0x15900] =	vst v63  }
0x7d: {  	_ =	swait.ge [sflag:s15], $0xA000  }
0x7e: {  	[sflag:s15] =	ssyncset.done $0x0  }
0x7f: {  	[sflag:s15] =	ssyncadd.s32 $0xFFFF6000  }
0x80: {  	[tilespmem:s9], [sflag:$0x2] =	stream.indirect.gather [hbm4b:s6+s7], $0x40, s16, s7, $0xb8;
	[tilespmem:$0x15900] =	vst v63  }
0x81: {  	_ =	swait.ge [sflag:s10], $0xA000  }
0x82: {  	[sflag:s10] =	ssyncset.done $0x0  }
0x83: {  	[sflag:s10] =	ssyncadd.s32 $0xFFFF6000  }
0x84: {  	[hbm4b:s17+s11] =	stream.strided.scatter [tilespmem:s8], [sflag:$0x3], $0xA000, s12, s11, $0x38;
	[tilespmem:$0x15900] =	vst v63  }
0x85: {  	_ =	swait.ge [sflag:s13], $0xA000  }
0x86: {  	[sflag:s13] =	ssyncset.done $0x0  }
0x87: {  	[sflag:s13] =	ssyncadd.s32 $0xFFFF6000  }
0x88: {  	[tilespmem:s8], [sflag:$0x1] =	stream.indirect.gather [hbm4b:s6+s7], $0x40, s18, s7, $0xb8;
	[tilespmem:$0x15900] =	vst v63  }
0x89: {  	_ =	swait.ge [sflag:s14], $0xA000  }
0x8a: {  	[sflag:s14] =	ssyncset.done $0x0  }
0x8b: {  	[sflag:s14] =	ssyncadd.s32 $0xFFFF6000  }
0x8c: {  	[hbm4b:s19+s11] =	stream.strided.scatter [tilespmem:s9], [sflag:$0x4], $0xA000, s12, s11, $0x38;
	[tilespmem:$0x15900] =	vst v63  }
0x8d: {  	_ =	swait.ge [sflag:s15], $0xA000  }
0x8e: {  	[sflag:s15] =	ssyncset.done $0x0  }
0x8f: {  	[sflag:s15] =	ssyncadd.s32 $0xFFFF6000  }
0x90: {  	[tilespmem:s9], [sflag:$0x2] =	stream.indirect.gather [hbm4b:s6+s7], $0x40, s20, s7, $0xb8;
	[tilespmem:$0x15900] =	vst v63  }
0x91: {  	_ =	swait.ge [sflag:s10], $0xA000  }
0x92: {  	[sflag:s10] =	ssyncset.done $0x0  }
0x93: {  	[sflag:s10] =	ssyncadd.s32 $0xFFFF6000  }
0x94: {  	[hbm4b:s21+s11] =	stream.strided.scatter [tilespmem:s8], [sflag:$0x3], $0xA000, s12, s11, $0x38;
	[tilespmem:$0x15900] =	vst v63  }
0x95: {  	_ =	swait.ge [sflag:s13], $0xA000  }
0x96: {  	[sflag:s13] =	ssyncset.done $0x0  }
0x97: {  	[sflag:s13] =	ssyncadd.s32 $0xFFFF6000  }
0x98: {  	[tilespmem:s8], [sflag:$0x1] =	stream.indirect.gather [hbm4b:s6+s7], $0x40, s22, s7, $0xb8;
	[tilespmem:$0x15900] =	vst v63  }
0x99: {  	_ =	swait.ge [sflag:s14], $0xA000  }
0x9a: {  	[sflag:s14] =	ssyncset.done $0x0  }
0x9b: {  	[sflag:s14] =	ssyncadd.s32 $0xFFFF6000  }
0x9c: {  	[hbm4b:s23+s11] =	stream.strided.scatter [tilespmem:s9], [sflag:$0x4], $0xA000, s12, s11, $0x38;
	[tilespmem:$0x15900] =	vst v63  }
0x9d: {  	_ =	swait.ge [sflag:s15], $0xA000  }
0x9e: {  	[sflag:s15] =	ssyncset.done $0x0  }
0x9f: {  	[sflag:s15] =	ssyncadd.s32 $0xFFFF6000  }
0xa0: {  	[tilespmem:s9], [sflag:$0x2] =	stream.indirect.gather [hbm4b:s6+s7], $0x40, s24, s7, $0xb8;
	[tilespmem:$0x15900] =	vst v63  }
0xa1: {  	_ =	swait.ge [sflag:s10], $0xA000  }
0xa2: {  	[sflag:s10] =	ssyncset.done $0x0  }
0xa3: {  	[sflag:s10] =	ssyncadd.s32 $0xFFFF6000  }
0xa4: {  	[hbm4b:s25+s11] =	stream.strided.scatter [tilespmem:s8], [sflag:$0x3], $0xA000, s12, s11, $0x38;
	[tilespmem:$0x15900] =	vst v63  }
0xa5: {  	_ =	swait.ge [sflag:s13], $0xA000  }
0xa6: {  	[sflag:s13] =	ssyncset.done $0x0  }
0xa7: {  	[sflag:s13] =	ssyncadd.s32 $0xFFFF6000  }
0xa8: {  	[tilespmem:s8], [sflag:$0x1] =	stream.indirect.gather [hbm4b:s6+s7], $0x40, s26, s7, $0xb8;
	[tilespmem:$0x15900] =	vst v63  }
0xa9: {  	_ =	swait.ge [sflag:s14], $0xA000  }
0xaa: {  	[sflag:s14] =	ssyncset.done $0x0  }
0xab: {  	[sflag:s14] =	ssyncadd.s32 $0xFFFF6000  }
0xac: {  	[hbm4b:s28+s11] =	stream.strided.scatter [tilespmem:s9], [sflag:$0x4], $0xA000, s12, s11, $0x38;
	[tilespmem:$0x15900] =	vst v63  }
0xad: {  	_ =	swait.ge [sflag:s15], $0xA000  }
0xae: {  	[sflag:s15] =	ssyncset.done $0x0  }
0xaf: {  	[sflag:s15] =	ssyncadd.s32 $0xFFFF6000  }
0xb0: {  	[tilespmem:s9], [sflag:$0x2] =	stream.indirect.gather [hbm4b:s6+s7], $0x40, s29, s7, $0xb8;
	[tilespmem:$0x15900] =	vst v63  }
0xb1: {  	_ =	swait.ge [sflag:s10], $0xA000  }
0xb2: {  	[sflag:s10] =	ssyncset.done $0x0  }
0xb3: {  	[sflag:s10] =	ssyncadd.s32 $0xFFFF6000  }
0xb4: {  	[hbm4b:s30+s11] =	stream.strided.scatter [tilespmem:s8], [sflag:$0x3], $0xA000, s12, s11, $0x38;
	[tilespmem:$0x15900] =	vst v63  }
0xb5: {  	_ =	swait.ge [sflag:s14], $0xA000  }
0xb6: {  	[sflag:s14] =	ssyncset.done $0x0  }
0xb7: {  	p0 =	sne.s32 s1, $0x1;
	[sflag:s14] =	ssyncadd.s32 $0xFFFF6000  }
0xb8: {  	[hbm4b:s31+s11] =	stream.strided.scatter [tilespmem:s9], [sflag:$0x4], $0xA000, s12, s11, $0x38;
	[tilespmem:$0x15900] =	vst v63  }
.Ltmp1:
0xb9: {  	_ =	swait.ge [sflag:s13], $0xA000;
	(pc) =	sbr.rel @p0 .LBB2_1-.Ltmp1, $4  }
0xba: {  	[sflag:s13] =	ssyncset.done $0x0  }
0xbb: {  	[sflag:s13] =	ssyncadd.s32 $0xFFFF6000  }
0xbc: {  	_ =	swait.ge [sflag:s15], $0xA000  }
0xbd: {  	s1 =	sadd.s32 $0xFFFFFFFF, s1;
	[sflag:s15] =	ssyncset.done $0x0  }
.LBB2_2:
0xbe: {  	[sflag:s15] =	ssyncadd.s32 $0xFFFF6000  }
0xbf: {  	_ =	sfence.sel $0x180000  }
0xc0: {  	[bflag:$0x0] =	sbarrier.arrive $0xFFFF  }
0xc1: {  	_ =	strace $0x90000047  }
0xc2: {  	s0 =	stileid.u32;
	[bflag:$0x2] =	sbarrier.arrive $0xFFFF  }
0xc3: {  	p0 =	sne.s32 s0, $0x0;
	s0 =	rddreg [dreg:$0x2]  }
0xc4: {  	s0 =	sadd.s32 @!p0 $0x100000, s0  }
0xc5: {  	[sflag:s0] =	ssyncadd.tile.s32 @!p0 $0x1;
	_ =	shalt  }
.Lfunc_end2:
_tile_overlayer_lowered:
.L_overlay_start_2:
0xc6: {  	(tag) =	ssettag $0x2  }
0xc7: {  	s0 =	rddreg [dreg:$0x0];
	s2 =	stileid.u32  }
0xc8: {  	s1 =	rddreg [dreg:$0x1];
	p0 =	sne.s32 s2, $0x0  }
0xc9: {  	s3 =	rddreg [dreg:$0x2];
	[bflag:$0x3] =	sbarrier.arrive $0xFFFF;
	s2 =	simm.s32 @!p0 $0x1C05  }
0xca: {  	[timem:s3], [sflag:s2] =	dma.local @!p0 [hbm:s0], s1  }
0xcb: {  	s0 =	simm.s32 @!p0 $0x5  }
0xcc: {  	_ =	swait.ge @!p0 [sflag:s0], s1  }
0xcd: {  	s1 =	ssub.s32 @!p0 $0x0, s1;
	[sflag:s0] =	ssyncset.done @!p0 $0x0  }
0xce: {  	[sflag:s0] =	ssyncadd.s32 @!p0 s1  }
0xcf: {  	[bflag:$0x3] =	sbarrier.arrive $0xFFFF  }
0xd0: {  	_ =	shalt  }

// kernel: sparse-core-data-format-call.cloned.1.call-start
scs
called_computation_lowered:
.L_overlay_start_0:
0x0: {  	s2 =	sld [smem:$0x3FD9]  }
0x1: {  	s3 =	sld [smem:$0x3FFE];
	_ =	sdelay $0x1  }
0x2: {  	s1 =	srdreg.scid  }
0x3: {  	s0 =	sand.u32 $0x1, s1  }
0x4: {  	s18 =	sshll.u32 s0, $0xA;
	s2 =	sadd.s32 s3, s2  }
0x5: {  	s2 =	sadd.s32 s2, s18  }
0x6: {  	[smem:$0x3FC6] =	sst s2  }
0x7: {  	_ = 	snop  }
0x8: {  	s2 =	sld [smem:$0x3FD0];
	(tm) =	ssettm $0x1  }
0x9: {  	s19 =	sld [smem:$0x3FFB];
	_ =	sdelay $0x3  }
0xa: {  	_ =	strace s19  }
0xb: {  	s3 =	sld [smem:$0x3FFC];
	_ =	sdelay $0x3  }
0xc: {  	_ =	strace s3  }
0xd: {  	s3 =	sld [smem:$0x3FFD];
	_ =	sdelay $0x3  }
0xe: {  	_ =	strace s3  }
0xf: {  	_ =	strace $0x8FFFFFFF  }
0x10: {  	s20 =	sld [smem:$0x3FDB];
	_ =	sdelay $0x1  }
0x11: {  	s4 =	simm.s32 $_scs_section_size  }
0x12: {  	s5 =	simm.s32 $_size__tile_overlayer_lowered;
	s6 =	simm.s32 $_tile_overlayer_lowered  }
0x13: {  	s23 =	simm.s32 $0x1BFF;
	s22 =	sshll.u32 s6, $0x1;
	s3 =	sadd.s32 s4, s20  }
0x14: {  	s7 =	simm.s32 $0x0;
	s21 =	sshll.u32 s5, $0x1;
	s5 =	sadd.s32 s22, s3  }
0x15: {  	[timem:s7], [sflag:s23] =	dma.local [hbm:s5], s21  }
0x16: {  	_ =	swait.ge [sflag:s23], s21  }
0x17: {  	s4 =	ssub.s32 $0x0, s21;
	[sflag:s23] =	ssyncset.done $0x0  }
0x18: {  	[sflag:s23] =	ssyncadd.s32 s4;
	_ =	sdelay $0x1  }
0x19: {  	s24 =	simm.s32 $0x1B8B  }
0x1a: {  	_ =	swait.ge [sflag:s24], $0x1  }
0x1b: {  	[sflag:s24] =	ssyncset.done $0x0  }
0x1c: {  	s26 =	simm.s32 $0x1B8E;
	s25 =	sld [smem:$0x3FFE];
	[sflag:s24] =	ssyncadd.s32 $0xFFFFFFFF  }
0x1d: {  	s27 =	simm.s32 $execute0_lowered;
	[smem:$0x3FD2] =	sst s26  }
0x1e: {  	s5 =	sshll.u32 s27, $0x1;
	_ =	strace $0x80000049;
	[dreg:$0x1] =	wrdreg $0xFFFFFFFF  }
0x1f: {  	s28 =	simm.s32 $_size_execute0_lowered;
	s3 =	sadd.s32 s3, s5;
	[dreg:$0x0] =	wrdreg $0x0  }
0x20: {  	s5 =	sshll.u32 s28, $0x1;
	[dreg:$0x2] =	wrdreg s3  }
0x21: {  	[dreg:$0x3] =	wrdreg s5  }
0x22: {  	[dreg:$0x4] =	wrdreg $0xC0  }
0x23: {  	_ =	task [dreg:s7], $0x5FFFF  }
0x24: {  	[dreg:$0x1] =	wrdreg $0xFFFFFFFF  }
0x25: {  	[dreg:$0x0] =	wrdreg $0x60  }
0x26: {  	[dreg:$0x2] =	wrdreg s25  }
0x27: {  	[dreg:$0x3] =	wrdreg s2  }
0x28: {  	[dreg:$0x4] =	wrdreg $0x9  }
0x29: {  	_ =	task.clear_ibuf [dreg:s7], $0x5FFFF;
	_ =	strace $0x90000049  }
0x2a: {  	s29 =	simm.s32 $0x9;
	_ =	strace $0x8000004B  }
0x2b: {  	_ =	swait.ge [sflag:s29], $0x1  }
0x2c: {  	[sflag:s29] =	ssyncadd.s32 $0xFFFFFFFF  }
0x2d: {  	_ =	strace $0x9000004B  }
0x2e: {  	_ =	sfence  }
0x2f: {  	s30 =	sld [smem:$0x0];
	_ =	sdelay $0x2  }
0x30: {  	s31 =	sshll.u32 s1, $0xD;
	s1 =	sshrl.u32 s1, $0x2  }
0x31: {  	s3 =	sand.u32 $0x4000, s31;
	s1 =	sadd.s32 s1, s30  }
0x32: {  	s0 =	sor.u32 s3, s0;
	s1 =	sshll.u32 s1, $0x11  }
0x33: {  	s0 =	sor.u32 s1, s0  }
0x34: {  	s0 =	sadd.s32 $0x8F2B, s0  }
0x35: {  	[sflag:s0] =	ssyncadd.remote.s32 $0x1  }
0x36: {  	_ =	sfence.sel $0xFFFF  }
0x37: {  	[dreg:$0x0] =	wrdreg $0xFFFFFFFF;
	(pc) =	sbr.abs _section_cstart, $3  }
0x38: {  	[dreg:$0x1] =	wrdreg $0xFFFFFFFF  }
0x39: {  	_ =	task.clear_ibuf [dreg:s7], $0x2FFFF;
	_ =	strace $0x9FFFFFFF  }
0x3a: {  	(tm) =	ssettm $0x7FFFFFFF  }
0x3b: {  	_ =	shalt  }
tec
execute0_lowered:
.L_overlay_start_1:
0x0: {  	(tag) =	ssettag $0x1  }
0x1: {  	s0 =	srdreg.scid  }
0x2: {  	s1 =	sshll.u32 s0, $0x4  }
0x3: {  	s0 =	stileid.u32;
	s1 =	sand.u32 $0x10, s1  }
0x4: {  	s1 =	sor.u32 s0, s1  }
0x5: {  	s6 =	rddreg [dreg:$0x0];
	s4 =	simm.s32 $0x1;
	s2 =	sshll.u32 s1, $0x7  }
0x6: {  	s7 =	simm.s32 $0x2;
	s12 =	simm.s32 $0x0;
	s1 =	ssub.s32 $0x1000, s2  }
0x7: {  	s8 =	simm.s32 $0x8000;
	s13 =	simm.s32 $0x0;
	s3 =	sand.u32 $0xF80, s1  }
0x8: {  	s9 =	simm.s32 $0x0;
	s5 =	sshrl.u32 s1, $0xC;
	p0 =	sne.s32 s3, $0x0  }
.Ltmp0:
0x9: {  	s1 =	rddreg [dreg:$0x2];
	s4 =	simm.s32 @!p0 $0x0;
	(pc) =	sbr.rel .LBB1_1-.Ltmp0, $4  }
0xa: {  	s11 =	simm.s32 $0x0;
	s3 =	rddreg [dreg:$0x1];
	s5 =	sadd.s32 s4, s5  }
0xb: {  	_ =	strace $0x8000004A;
	s4 =	simm.s32 $0x1;
	s5 =	smul.u32 $0x32, s5  }
0xc: {  	s6 =	sadd.s32 $0x2400, s6;
	s10 =	smov.u32 s2;
	[sflag:s4] =	ssyncpa.u1 $0x0  }
0xd: {  	p0 =	por $0x0, $0x0;
	[sflag:s7] =	ssyncpa.u1 $0x0;
	s7 =	sor.u32 $0x1, s5  }
.LBB1_4:
0xe: {  	s16 =	sshll.u32 s13, $0x3;
	s17 =	sand.u32 $0x78, s13  }
0xf: {  	s30 =	sand.u32 $0x7E00, s13;
	s12 =	sshll.u32 s12, $0xF;
	s16 =	sand.u32 $0xC00, s16  }
0x10: {  	[tilespmem:s15+$0x810 ss:$0x81] =	vst.msk $0xffff, v2;
	s31 =	sand.u32 $0x7, s13;
	s16 =	sor.u32 s17, s16;
	s17 =	sadd.s32 s3, s30  }
0x11: {  	[tilespmem:s15+$0x1020 ss:$0x81] =	vst.msk $0xffff, v0;
	s13 =	sshll.u32 s31, $0x12;
	s12 =	sadd.s32 s12, s17;
	s16 =	sshrl.u32 s16, $0x3  }
0x12: {  	[tilespmem:s15+$0x0 ss:$0x81] =	vst.msk $0xffff, v1;
	s13 =	sor.u32 $0x400, s13;
	s12 =	sadd.s32 s16, s12  }
0x13: {  	[hbm4b:s12+s13] =	stream.strided.scatter [tilespmem:s14], [sflag:$0x2], $0x2000, s8, s13, $0x20;
	[tilespmem:$0x8080] =	vst v63  }
.LBB1_5:
0x14: {  	s14 =	sadd.s32 $0x1, s9  }
0x15: {  	s12 =	sadd.s32 $0x1000, s10;
	s16 =	smov.u32 s10;
	p2 =	sgt.s32 s14, $0x31  }
0x16: {  	s16 =	smov.u32 @p2 s12  }
0x17: {  	s14 =	simm.s32 @p2 $0x0;
	p2 =	sgt.s32 s16, $0xFFF  }
0x18: {  	s16 =	smov.u32 @p2 s2;
	p2 =	sne.s32 s11, s7  }
.Ltmp1:
0x19: {  	p1 =	slt.u32 s11, $0x2;
	(pc) =	sbr.rel @!p2 .LBB1_6-.Ltmp1, $4  }
0x1a: {  	s15 =	simm.s32 @!p1 $0x2  }
0x1b: {  	s13 =	smov.u32 s10;
	p0 =	por !p0, !p0;
	_ =	swait.ge @!p1 [sflag:s15], $0x2000  }
0x1c: {  	s12 =	smov.u32 s9;
	[sflag:s15] =	ssyncset.done @!p1 $0x0;
	s9 =	smov.u32 s14  }
0x1d: {  	s11 =	sadd.s32 $0x1, s11;
	[sflag:s15] =	ssyncadd.s32 @!p1 $0xFFFFE000;
	s10 =	smov.u32 s16  }
.LBB1_1:
0x1e: {  	p1 =	sge.u32 s11, s5  }
0x1f: {  	s14 =	sand.u32 @!p1 $0x1FFFFFF, s9  }
0x20: {  	s15 =	smulhi.u32 @!p1 $0x4924925, s14;
	_ =	sdelay $0x1  }
0x21: {  	s15 =	smul.u32 @!p1 $0x38, s15  }
0x22: {  	s16 =	sxor.u32 @!p1 $0xFFFFFFFF, s11;
	s17 =	smul.u32 @!p1 $0x380, s10  }
0x23: {  	s31 =	sadd.s32 $0xFFFFFFFF, s11;
	s16 =	sshll.u32 @!p1 s16, $0xD;
	s14 =	ssub.s32 @!p1 s14, s15  }
0x24: {  	s15 =	sand.u32 @!p1 $0x2000, s16;
	s16 =	sadd.s32 @!p1 s6, s17;
	s14 =	sshll.u32 @!p1 s14, $0x4  }
0x25: {  	s17 =	simm.s32 @!p1 $0x1C00;
	s14 =	sadd.s32 @!p1 s14, s16;
	s16 =	simm.s32 @!p1 $0x40  }
0x26: {  	[tilespmem:s15], [sflag:$0x1] =	stream.strided.gather @!p1 [hbm4b:s14+s16], $0x2000, s17, s16, $0x38;
	[tilespmem:$0x8080] =	vst v63  }
0x27: {  	p1 =	sge.u32 s31, s5  }
.Ltmp2:
0x28: {  	_ = 	snop;
	(pc) =	sbr.rel @p1 .LBB1_5-.Ltmp2, $1  }
0x29: {  	_ =	sdelay $0x3  }
0x2a: {  	s14 =	simm.s32 $0x1  }
0x2b: {  	_ =	swait.ge [sflag:s4], $0x2000;
	s14 =	simm.s32 @!p0 $0x0  }
0x2c: {  	[sflag:s4] =	ssyncset.done $0x0;
	s15 =	sshll.u32 s14, $0xD  }
0x2d: {  	[sflag:s4] =	ssyncadd.s32 $0xFFFFE000;
	s18 =	sor.u32 $0x20, s15  }
0x2e: {  	s14 =	smul.u32 $0x8100, s14;
	v3 =	vld [tilespmem:s18+$0x10]  }
0x2f: {  	s30 =	sand.u32 $0x1, s11;
	v2 =	vld [tilespmem:s18+$0xFFFFFFF0]  }
0x30: {  	s15 =	smul.u32 $0x8100, s30;
	s14 =	sshrl.u32 s14, $0x2;
	v0 =	vld [tilespmem:s18+$0x0]  }
0x31: {  	v1 =	vld [tilespmem:s18+$0xFFFFFFE0];
	s16 =	sor.u32 $0x4000, s14  }
0x32: {  	s31 =	sshrl.u32 s15, $0x2;
	s15 =	sadd.s32 $0x0, s16  }
0x33: {  	s17 =	simm.s32 $0x4;
	s18 =	sadd.s32 $0x40, s18;
	s14 =	sor.u32 $0x4000, s31;
	[tilespmem:s15+$0x1830 ss:$0x81] =	vst.msk $0xffff, v3  }
.LBB1_3:
0x34: {  	v3 =	vld [tilespmem:s18+$0x10];
	p1 =	sne.s32 s17, $0x1FC;
	[tilespmem:s15+$0x810 ss:$0x81] =	vst.msk $0xffff, v2;
	s19 =	smov.u32 s17;
	s17 =	sadd.s32 $0x4, s17  }
.Ltmp3:
0x35: {  	v2 =	vld [tilespmem:s18+$0xFFFFFFF0];
	[tilespmem:s15+$0x1020 ss:$0x81] =	vst.msk $0xffff, v0;
	(pc) =	sbr.rel @p1 .LBB1_3-.Ltmp3, $4  }
0x36: {  	v0 =	vld [tilespmem:s18+$0x0];
	[tilespmem:s15+$0x0 ss:$0x81] =	vst.msk $0xffff, v1  }
0x37: {  	s15 =	sshra.s32 s19, $0x2;
	v1 =	vld [tilespmem:s18+$0xFFFFFFE0]  }
0x38: {  	s15 =	sadd.s32 s15, s16  }
0x39: {  	s18 =	sadd.s32 $0x40, s18;
	[tilespmem:s15+$0x1830 ss:$0x81] =	vst.msk $0xffff, v3  }
.Ltmp4:
0x3a: {  	_ = 	snop;
	(pc) =	sbr.rel .LBB1_4-.Ltmp4, $1  }
0x3b: {  	_ =	sdelay $0x3  }
.LBB1_6:
0x3c: {  	_ =	sfence.sel $0x180000  }
0x3d: {  	s2 =	simm.s32 $0x1;
	[bflag:$0x0] =	sbarrier.arrive $0xFFFF  }
0x3e: {  	s31 =	simm.s32 $0x2;
	[sflag:s2] =	ssyncpa.u1 $0x1  }
0x3f: {  	[sflag:s31] =	ssyncpa.u1 $0x1  }
0x40: {  	p0 =	sne.s32 s0, $0x0;
	_ =	strace $0x9000004A  }
0x41: {  	s0 =	sadd.s32 @!p0 $0x100000, s1;
	[bflag:$0x2] =	sbarrier.arrive $0xFFFF  }
0x42: {  	[sflag:s0] =	ssyncadd.tile.s32 @!p0 $0x1;
	_ =	shalt  }
.Lfunc_end1:
_tile_overlayer_lowered:
.L_overlay_start_2:
0x43: {  	(tag) =	ssettag $0x2  }
0x44: {  	s0 =	rddreg [dreg:$0x0];
	s2 =	stileid.u32  }
0x45: {  	s1 =	rddreg [dreg:$0x1];
	p0 =	sne.s32 s2, $0x0  }
0x46: {  	s3 =	rddreg [dreg:$0x2];
	[bflag:$0x3] =	sbarrier.arrive $0xFFFF;
	s2 =	simm.s32 @!p0 $0x1C01  }
0x47: {  	[timem:s3], [sflag:s2] =	dma.local @!p0 [hbm:s0], s1  }
0x48: {  	s0 =	simm.s32 @!p0 $0x1  }
0x49: {  	_ =	swait.ge @!p0 [sflag:s0], s1  }
0x4a: {  	s1 =	ssub.s32 @!p0 $0x0, s1;
	[sflag:s0] =	ssyncset.done @!p0 $0x0  }
0x4b: {  	[sflag:s0] =	ssyncadd.s32 @!p0 s1  }
0x4c: {  	[bflag:$0x3] =	sbarrier.arrive $0xFFFF  }
0x4d: {  	_ =	shalt  }

</sc_bundles>
